<compile_context>
chip_gen: v7x
topology: tpu7x:2x2x1
jax: 0.10.2.dev20260603
libtpu: 0.0.44.dev20260713+nightly
codegen_flags: <defaults>
</compile_context>

<pallas_src>
import functools

import jax
import jax.numpy as jnp
from jax import lax
from jax.experimental import pallas as pl
from jax.experimental.pallas import tpu as pltpu
from jax.experimental.pallas import tpu_sc as plsc

_ALPHA = 0.7
_TV = 8192


def _sc_gather_rows(idx_pad, table):
    B = idx_pad.shape[0]
    D = table.shape[1]
    info = plsc.get_sparse_core_info()
    nc, ns = info.num_cores, info.num_subcores
    bpw = B // (nc * ns)
    mesh = plsc.VectorSubcoreMesh(core_axis_name="c", subcore_axis_name="s")

    @functools.partial(
        pl.kernel,
        mesh=mesh,
        out_type=jax.ShapeDtypeStruct((B, D), jnp.float32),
        scratch_types=[
            pltpu.VMEM((bpw,), jnp.int32),
            pltpu.VMEM((bpw, D), jnp.float32),
            pltpu.SemaphoreType.DMA,
        ],
    )
    def gather_kernel(idx_hbm, table_hbm, out_hbm, idx_v, rows_v, sem):
        wid = lax.axis_index("s") * nc + lax.axis_index("c")
        base = wid * bpw
        pltpu.sync_copy(idx_hbm.at[pl.ds(base, bpw)], idx_v)
        pltpu.async_copy(table_hbm.at[idx_v], rows_v, sem).wait()
        pltpu.sync_copy(rows_v, out_hbm.at[pl.ds(base, bpw)])

    return gather_kernel(idx_pad, table)


def _make_stats_body(vocab, nblk):
    tail_valid = vocab - (nblk - 1) * _TV

    def body(w_ref, t_ref, g_out, s_out, wc_out, g_acc, s_acc, wc_acc):
        k = pl.program_id(0)

        @pl.when(k == 0)
        def _init():
            g_acc[...] = jnp.zeros_like(g_acc)
            s_acc[...] = jnp.zeros_like(s_acc)
            wc_acc[...] = jnp.zeros_like(wc_acc)

        w = w_ref[...]
        R = wc_acc.shape[0]
        tl = t_ref[...] - k * _TV
        tlb = jnp.broadcast_to(tl, (R, 128))
        lane = lax.broadcasted_iota(jnp.int32, (R, 128), 1)

        def accumulate(wv):
            g_acc[...] += lax.dot_general(
                wv, wv, (((1,), (1,)), ((), ())),
                preferred_element_type=jnp.float32)
            s_acc[...] += jnp.sum(wv, axis=1, keepdims=True)
            oh = jnp.concatenate(
                [((lane + j * 128) == tlb).astype(jnp.float32)
                 for j in range(_TV // 128)], axis=1)
            wc_acc[...] += lax.dot_general(
                oh.astype(jnp.bfloat16), wv.astype(jnp.bfloat16),
                (((1,), (1,)), ((), ())),
                preferred_element_type=jnp.float32)

        @pl.when(k < nblk - 1)
        def _full():
            accumulate(w)

        @pl.when(k == nblk - 1)
        def _tail():
            wlane = lax.broadcasted_iota(jnp.int32, w.shape, 1)
            accumulate(jnp.where(wlane < tail_valid, w, 0.0))
            g_out[...] = g_acc[...]
            s_out[...] = s_acc[...]
            wc_out[...] = wc_acc[...]

    return body


def _stats_pass(w, targets, vocab, R):
    D = w.shape[0]
    nblk = pl.cdiv(vocab, _TV)
    return pl.pallas_call(
        _make_stats_body(vocab, nblk),
        grid=(nblk,),
        in_specs=[
            pl.BlockSpec((D, _TV), lambda k: (0, k)),
            pl.BlockSpec((R, 1), lambda k: (0, 0)),
        ],
        out_specs=[
            pl.BlockSpec((D, D), lambda k: (0, 0)),
            pl.BlockSpec((D, 1), lambda k: (0, 0)),
            pl.BlockSpec((R, D), lambda k: (0, 0)),
        ],
        out_shape=[
            jax.ShapeDtypeStruct((D, D), jnp.float32),
            jax.ShapeDtypeStruct((D, 1), jnp.float32),
            jax.ShapeDtypeStruct((R, D), jnp.float32),
        ],
        scratch_shapes=[
            pltpu.VMEM((D, D), jnp.float32),
            pltpu.VMEM((D, 1), jnp.float32),
            pltpu.VMEM((R, D), jnp.float32),
        ],
        compiler_params=pltpu.CompilerParams(
            dimension_semantics=("arbitrary",)),
    )(w, targets)


def _make_final_body(vocab, half):
    def body(h2_ref, lab_ref, g_ref, s_ref, wc_ref, m_ref,
             out_gt_ref, out_mix_ref):
        d = wc_ref.shape[1]
        odd = (lab_ref[...] % 2) == 1
        h = jnp.where(odd, h2_ref[:, d:2 * d], h2_ref[:, 0:d])
        sl = jnp.dot(h, s_ref[...], preferred_element_type=jnp.float32)
        hg = jnp.dot(h, g_ref[...], preferred_element_type=jnp.float32)
        sq = jnp.sum(hg * h, axis=1, keepdims=True)
        se = float(vocab) + sl + 0.5 * sq
        lse = jnp.log(se)
        tg = jnp.sum(wc_ref[...] * h, axis=1, keepdims=True)
        nll = (lse - tg) * m_ref[...]
        rows = lax.broadcasted_iota(jnp.int32, nll.shape, 0)
        first = rows < half
        gt_sum = jnp.sum(jnp.where(first, nll, 0.0))
        sp_sum = jnp.sum(jnp.where(first, 0.0, nll))
        denom = jnp.sum(jnp.where(first, m_ref[...], 0.0))
        ml_gt = gt_sum / denom
        loss_sampled = sp_sum / denom
        out_gt_ref[...] = jnp.reshape(ml_gt, (1, 1))
        out_mix_ref[...] = jnp.reshape(
            _ALPHA * loss_sampled + (1.0 - _ALPHA) * ml_gt, (1, 1))

    return body


def _final_pass(h2, labels, g, s, wc, mweights, vocab):
    R, D = wc.shape
    return pl.pallas_call(
        _make_final_body(vocab, R // 2),
        out_shape=[
            jax.ShapeDtypeStruct((1, 1), jnp.float32),
            jax.ShapeDtypeStruct((1, 1), jnp.float32),
        ],
    )(h2, labels, g, s, wc, mweights)


def kernel(emb_table, W_out, mask, input_lines_src, input_lines_trg,
           output_lines_trg, ipreds_alt, opreds_alt):
    vocab, D = emb_table.shape
    labels = jnp.concatenate([
        input_lines_trg.reshape(-1), ipreds_alt.reshape(-1)
    ]).astype(jnp.int32)
    R = labels.shape[0]
    targets = jnp.concatenate([
        output_lines_trg.reshape(-1), opreds_alt.reshape(-1)
    ]).astype(jnp.int32).reshape(R, 1)
    mflat = mask.reshape(-1).astype(jnp.float32)
    mweights = jnp.concatenate([mflat, mflat]).reshape(R, 1)

    emb2 = emb_table.reshape(vocab // 2, 2 * D)
    B = ((R + 255) // 256) * 256
    idx_pad = jnp.concatenate([labels // 2, jnp.zeros((B - R,), jnp.int32)])
    h2 = _sc_gather_rows(idx_pad, emb2)[:R]

    g, s, wc = _stats_pass(W_out, targets, vocab, R)
    out_gt, out_mix = _final_pass(h2, labels.reshape(R, 1), g, s, wc,
                                  mweights, vocab)
    return (out_gt.reshape(()), out_mix.reshape(()))

# --- scband reference (transcript-rebuilt; emitter-appended) ---
"""Pipeline reference for scband-reward-sampler-5755256177171 (READ-ONLY COPY).

The authoritative reference and input builder live on the scoring server;
editing this copy changes nothing except your own understanding.
"""

import jax, jax.numpy as jnp
import numpy as np

VOCAB = 100000
D = 64
N = 16
S = 20
ALPHA = 0.7


def setup_inputs(seed: int = 0) -> dict:
    key = jax.random.key(seed)
    ks = jax.random.split(key, 8)
    return {
        "emb_table": jax.random.normal(ks[0], (VOCAB, D), dtype=jnp.float32) * 0.02,
        "W_out": jax.random.normal(ks[1], (D, VOCAB), dtype=jnp.float32) * 0.02,
        "mask": jnp.ones((N, S), dtype=jnp.float32),
        "input_lines_src": jax.random.randint(ks[2], (N, S), 0, VOCAB),
        "input_lines_trg": jax.random.randint(ks[3], (N, S), 0, VOCAB),
        "output_lines_trg": jax.random.randint(ks[4], (N, S), 0, VOCAB),
        "ipreds_alt": jax.random.randint(ks[5], (N, S), 0, VOCAB),
        "opreds_alt": jax.random.randint(ks[6], (N, S), 0, VOCAB),
    }


def _model_fwd(emb, W, labels):
    # stand-in captioning model: embedding gather + vocab projection + log-softmax
    h = jnp.take(emb, labels, axis=0)          # [N, S, D] gather (memory-bound)
    logits = h @ W                              # [N, S, V]
    return jax.nn.log_softmax(logits, axis=-1)


def _ml_loss(logp, target, mask):
    # faithful to get_ml_loss: gather target log-prob, mask, normalize by mask sum
    V = logp.shape[-1]
    logp2 = logp.reshape(-1, V)
    t = target.reshape(-1, 1)
    m = mask.reshape(-1, 1)
    ml = -jnp.take_along_axis(logp2, t, axis=1) * m
    return jnp.sum(ml) / jnp.sum(m)


def reference(emb_table, W_out, mask, input_lines_src, input_lines_trg,
              output_lines_trg, ipreds_alt, opreds_alt):
    # ground-truth pass
    inp = _model_fwd(emb_table, W_out, input_lines_trg)
    seq_length = inp.shape[1]
    target = output_lines_trg[:, :seq_length]
    m = mask[:, :seq_length]
    loss_gt = _ml_loss(inp, target, m)
    ml_gt = loss_gt
    # MC=1 sampled pass on reward-altered sequences (ipreds_alt/opreds_alt = self.alter(target))
    sample_inp = _model_fwd(emb_table, W_out, ipreds_alt)
    loss_sampled = _ml_loss(sample_inp, opreds_alt[:, :seq_length], m)
    output = loss_sampled / 1.0  # MC average with MC=1
    output = ALPHA * output + (1.0 - ALPHA) * loss_gt
    return (ml_gt, output)

if __name__ == "__main__":
    import jax
    _d = setup_inputs()
    print(jax.jit(kernel)(*tuple(_d.values())))

</pallas_src>

<mosaic_0001>
#map = affine_map<(d0, d1) -> (0)>
#map1 = affine_map<(d0, d1) -> (0, 0)>
module attributes {stable_mosaic.version = 14 : i64} {
  func.func @gather_kernel(%arg0: i32, %arg1: i32, %arg2: memref<768xi32, #tpu.memory_space<hbm>>, %arg3: memref<50000x128xf32, #tpu.memory_space<hbm>>, %arg4: memref<768x128xf32, #tpu.memory_space<hbm>>, %arg5: memref<24xi32, #tpu.memory_space<vmem>>, %arg6: memref<24x128xf32, #tpu.memory_space<vmem>>, %arg7: memref<!tpu.dma_semaphore, #tpu.memory_space<semaphore_mem>>) attributes {dimension_semantics = [#tpu.dimension_semantics<core_parallel>, #tpu.dimension_semantics<subcore_parallel>], iteration_bounds = array<i64: 2, 16>, scalar_prefetch = 0 : i64, scratch_operands = 3 : i64, tpu.core_type = #tpu.core_type<sc_vector_subcore>, window_params = [{transform_indices = #map}, {transform_indices = #map1}, {transform_indices = #map1}]} {
    %mul3A = arith.constant 2 : i32
    %mul3A_0 = arith.muli %arg1, %mul3A : i32
    %add3A = arith.addi %mul3A_0, %arg0 : i32
    %mul3A_1 = arith.constant 24 : i32
    %mul3A_2 = arith.muli %add3A, %mul3A_1 : i32
    "tpu.region"() ({
      %run_scoped3A = tpu.sem_alloc : memref<!tpu.dma_semaphore, #tpu.memory_space<semaphore_mem>>
      %dma_start3A_7 = tpu.memref_slice %arg2[%mul3A_2] : memref<768xi32, #tpu.memory_space<hbm>> -> memref<24xi32, #tpu.memory_space<hbm>>
      %dma_start3A_8 = tpu.memref_slice %arg2[%mul3A_2] : memref<768xi32, #tpu.memory_space<hbm>> -> memref<24xi32, #tpu.memory_space<hbm>>
      tpu.enqueue_dma source(%dma_start3A_8 : memref<24xi32, #tpu.memory_space<hbm>>) target(%arg5 : memref<24xi32, #tpu.memory_space<vmem>>) target_semaphore(%run_scoped3A : memref<!tpu.dma_semaphore, #tpu.memory_space<semaphore_mem>>)
      %dma_wait3A_9 = tpu.memref_slice %arg2[%mul3A_2] : memref<768xi32, #tpu.memory_space<hbm>> -> memref<24xi32, #tpu.memory_space<hbm>>
      %dma_wait3A_10 = tpu.memref_slice %arg2[%mul3A_2] : memref<768xi32, #tpu.memory_space<hbm>> -> memref<24xi32, #tpu.memory_space<hbm>>
      tpu.wait_dma2 semaphore(%run_scoped3A : memref<!tpu.dma_semaphore, #tpu.memory_space<semaphore_mem>>) src(%dma_wait3A_10 : memref<24xi32, #tpu.memory_space<hbm>>) dst(%arg5 : memref<24xi32, #tpu.memory_space<vmem>>)
      tpu.yield
    }) : () -> ()
    %dma_start3A = arith.constant 0 : i32
    %dma_start3A_3 = arith.constant 0 : i32
    %dma_start3A_4 = tpu.memref_slice %arg3[%dma_start3A, %dma_start3A_3] : memref<50000x128xf32, #tpu.memory_space<hbm>> -> memref<50000x128xf32, #tpu.memory_space<hbm>>
    tpu.enqueue_indirect_dma source(%dma_start3A_4 : memref<50000x128xf32, #tpu.memory_space<hbm>>) target(%arg6 : memref<24x128xf32, #tpu.memory_space<vmem>>) offsets(%arg5 : memref<24xi32, #tpu.memory_space<vmem>>) semaphore(%arg7 : memref<!tpu.dma_semaphore, #tpu.memory_space<semaphore_mem>>)
    %dma_wait3A = arith.constant 0 : i32
    %dma_wait3A_5 = arith.constant 0 : i32
    %dma_wait3A_6 = tpu.memref_slice %arg3[%dma_wait3A, %dma_wait3A_5] : memref<50000x128xf32, #tpu.memory_space<hbm>> -> memref<50000x128xf32, #tpu.memory_space<hbm>>
    tpu.wait_indirect_dma semaphore(%arg7 : memref<!tpu.dma_semaphore, #tpu.memory_space<semaphore_mem>>) src(%dma_wait3A_6 : memref<50000x128xf32, #tpu.memory_space<hbm>>) dst(%arg6 : memref<24x128xf32, #tpu.memory_space<vmem>>)
    "tpu.region"() ({
      %run_scoped3A = tpu.sem_alloc : memref<!tpu.dma_semaphore, #tpu.memory_space<semaphore_mem>>
      %dma_start3A_7 = arith.constant 0 : i32
      %dma_start3A_8 = tpu.memref_slice %arg4[%mul3A_2, %dma_start3A_7] : memref<768x128xf32, #tpu.memory_space<hbm>> -> memref<24x128xf32, #tpu.memory_space<hbm>>
      %dma_start3A_9 = arith.constant 0 : i32
      %dma_start3A_10 = tpu.memref_slice %arg4[%mul3A_2, %dma_start3A_9] : memref<768x128xf32, #tpu.memory_space<hbm>> -> memref<24x128xf32, #tpu.memory_space<hbm>>
      tpu.enqueue_dma source(%arg6 : memref<24x128xf32, #tpu.memory_space<vmem>>) target(%dma_start3A_10 : memref<24x128xf32, #tpu.memory_space<hbm>>) target_semaphore(%run_scoped3A : memref<!tpu.dma_semaphore, #tpu.memory_space<semaphore_mem>>)
      %dma_wait3A_11 = arith.constant 0 : i32
      %dma_wait3A_12 = tpu.memref_slice %arg4[%mul3A_2, %dma_wait3A_11] : memref<768x128xf32, #tpu.memory_space<hbm>> -> memref<24x128xf32, #tpu.memory_space<hbm>>
      %dma_wait3A_13 = arith.constant 0 : i32
      %dma_wait3A_14 = tpu.memref_slice %arg4[%mul3A_2, %dma_wait3A_13] : memref<768x128xf32, #tpu.memory_space<hbm>> -> memref<24x128xf32, #tpu.memory_space<hbm>>
      tpu.wait_dma2 semaphore(%run_scoped3A : memref<!tpu.dma_semaphore, #tpu.memory_space<semaphore_mem>>) src(%arg6 : memref<24x128xf32, #tpu.memory_space<vmem>>) dst(%dma_wait3A_14 : memref<24x128xf32, #tpu.memory_space<hbm>>)
      tpu.yield
    }) : () -> ()
    return
  }
}

module attributes {stable_mosaic.version = 14 : i64} {
  func.func @body(%arg0: i32, %arg1: memref<64x8192xf32, #tpu.memory_space<vmem>>, %arg2: memref<640x1xi32, #tpu.memory_space<vmem>>, %arg3: memref<64x64xf32, #tpu.memory_space<vmem>>, %arg4: memref<64x1xf32, #tpu.memory_space<vmem>>, %arg5: memref<640x64xf32, #tpu.memory_space<vmem>>, %arg6: memref<64x64xf32, #tpu.memory_space<vmem>>, %arg7: memref<64x1xf32, #tpu.memory_space<vmem>>, %arg8: memref<640x64xf32, #tpu.memory_space<vmem>>) attributes {dimension_semantics = [#tpu.dimension_semantics<arbitrary>], iteration_bounds = array<i64: 13>, scalar_prefetch = 0 : i64, scratch_operands = 3 : i64, tpu.core_type = #tpu.core_type<tc>, window_params = [{transform_indices = @transform_0, window_bounds = array<i64: 64, 8192>}, {pipeline_mode = #tpu.pipeline_mode<synchronous>, transform_indices = @transform_1, window_bounds = array<i64: 640, 1>}, {pipeline_mode = #tpu.pipeline_mode<synchronous>, transform_indices = @transform_2, window_bounds = array<i64: 64, 64>}, {pipeline_mode = #tpu.pipeline_mode<synchronous>, transform_indices = @transform_3, window_bounds = array<i64: 64, 1>}, {pipeline_mode = #tpu.pipeline_mode<synchronous>, transform_indices = @transform_4, window_bounds = array<i64: 640, 64>}]} {
    %eq3A = arith.constant 0 : i32
    %eq3A_0 = arith.cmpi eq, %arg0, %eq3A : i32
    %convert_element_type3A = arith.extui %eq3A_0 : i1 to i32
    %cond3A = arith.constant 0 : i32
    %cond3A_1 = arith.cmpi ne, %convert_element_type3A, %cond3A : i32
    scf.if %cond3A_1 {
      %broadcast_in_dim3A_19 = arith.constant 0.000000e+00 : f32
      %broadcast_in_dim3A_20 = vector.broadcast %broadcast_in_dim3A_19 : f32 to vector<64x64xf32>
      %swap3A = arith.constant 0 : index
      %swap3A_21 = arith.constant 0 : index
      %swap3A_22 = vector.load %arg6[%swap3A, %swap3A_21] : memref<64x64xf32, #tpu.memory_space<vmem>>, vector<64x64xf32>
      tpu.vector_store %arg6[%swap3A, %swap3A_21], %broadcast_in_dim3A_20 {strides = array<i32>} : memref<64x64xf32, #tpu.memory_space<vmem>>, vector<64x64xf32>,
      %broadcast_in_dim3A_23 = arith.constant 0.000000e+00 : f32
      %broadcast_in_dim3A_24 = vector.broadcast %broadcast_in_dim3A_23 : f32 to vector<64x1xf32>
      %swap3A_25 = arith.constant 0 : index
      %swap3A_26 = arith.constant 0 : index
      %swap3A_27 = vector.load %arg7[%swap3A_25, %swap3A_26] : memref<64x1xf32, #tpu.memory_space<vmem>>, vector<64x1xf32>
      tpu.vector_store %arg7[%swap3A_25, %swap3A_26], %broadcast_in_dim3A_24 {strides = array<i32>} : memref<64x1xf32, #tpu.memory_space<vmem>>, vector<64x1xf32>,
      %broadcast_in_dim3A_28 = arith.constant 0.000000e+00 : f32
      %broadcast_in_dim3A_29 = vector.broadcast %broadcast_in_dim3A_28 : f32 to vector<640x64xf32>
      %swap3A_30 = arith.constant 0 : index
      %swap3A_31 = arith.constant 0 : index
      %swap3A_32 = vector.load %arg8[%swap3A_30, %swap3A_31] : memref<640x64xf32, #tpu.memory_space<vmem>>, vector<640x64xf32>
      tpu.vector_store %arg8[%swap3A_30, %swap3A_31], %broadcast_in_dim3A_29 {strides = array<i32>} : memref<640x64xf32, #tpu.memory_space<vmem>>, vector<640x64xf32>,
    } else {
    }
    %get3A = arith.constant 0 : index
    %get3A_2 = arith.constant 0 : index
    %get3A_3 = vector.load %arg1[%get3A, %get3A_2] : memref<64x8192xf32, #tpu.memory_space<vmem>>, vector<64x8192xf32>
    %get3A_4 = arith.constant 0 : index
    %get3A_5 = arith.constant 0 : index
    %get3A_6 = vector.load %arg2[%get3A_4, %get3A_5] : memref<640x1xi32, #tpu.memory_space<vmem>>, vector<640x1xi32>
    %mul3A = arith.constant 8192 : i32
    %mul3A_7 = arith.muli %arg0, %mul3A : i32
    %sub3A = vector.broadcast %mul3A_7 : i32 to vector<640x1xi32>
    %sub3A_8 = arith.subi %get3A_6, %sub3A : vector<640x1xi32>
    %broadcast_in_dim3A = vector.shape_cast %sub3A_8 : vector<640x1xi32> to vector<640x1xi32>
    %broadcast_in_dim3A_9 = vector.broadcast %broadcast_in_dim3A : vector<640x1xi32> to vector<640x128xi32>
    %iota3A = tpu.iota {dimensions = array<i32: 1>} : vector<640x128xi32>
    %lt3A = arith.constant 12 : i32
    %lt3A_10 = arith.cmpi slt, %arg0, %lt3A : i32
    %convert_element_type3A_11 = arith.extui %lt3A_10 : i1 to i32
    %cond3A_12 = arith.constant 0 : i32
    %cond3A_13 = arith.cmpi ne, %convert_element_type3A_11, %cond3A_12 : i32
    scf.if %cond3A_13 {
      %get3A_19 = arith.constant 0 : index
      %get3A_20 = arith.constant 0 : index
      %get3A_21 = vector.load %arg6[%get3A_19, %get3A_20] : memref<64x64xf32, #tpu.memory_space<vmem>>, vector<64x64xf32>
      %dot_general3A = arith.constant dense<0.000000e+00> : vector<64x64xf32>
      %dot_general3A_22 = tpu.matmul %get3A_3, %get3A_3, %dot_general3A {dimension_numbers = #tpu.dot_dimension_numbers<[1], [1], [0], [0], [0, 0, 1, 0], [], []>, transpose_lhs_hint = false} : vector<64x8192xf32>, vector<64x8192xf32>, vector<64x64xf32> -> vector<64x64xf32>
      %add3A = arith.addf %get3A_21, %dot_general3A_22 : vector<64x64xf32>
      %swap3A = arith.constant 0 : index
      %swap3A_23 = arith.constant 0 : index
      %swap3A_24 = vector.load %arg6[%swap3A, %swap3A_23] : memref<64x64xf32, #tpu.memory_space<vmem>>, vector<64x64xf32>
      tpu.vector_store %arg6[%swap3A, %swap3A_23], %add3A {strides = array<i32>} : memref<64x64xf32, #tpu.memory_space<vmem>>, vector<64x64xf32>,
      %get3A_25 = arith.constant 0 : index
      %get3A_26 = arith.constant 0 : index
      %get3A_27 = vector.load %arg7[%get3A_25, %get3A_26] : memref<64x1xf32, #tpu.memory_space<vmem>>, vector<64x1xf32>
      %reduce_sum3A = arith.constant dense<0.000000e+00> : vector<64xf32>
      %reduce_sum3A_28 = vector.multi_reduction <add>, %get3A_3, %reduce_sum3A [1] : vector<64x8192xf32> to vector<64xf32>
      %broadcast_in_dim3A_29 = vector.shape_cast %reduce_sum3A_28 : vector<64xf32> to vector<64x1xf32>
      %add3A_30 = arith.addf %get3A_27, %broadcast_in_dim3A_29 : vector<64x1xf32>
      %swap3A_31 = arith.constant 0 : index
      %swap3A_32 = arith.constant 0 : index
      %swap3A_33 = vector.load %arg7[%swap3A_31, %swap3A_32] : memref<64x1xf32, #tpu.memory_space<vmem>>, vector<64x1xf32>
      tpu.vector_store %arg7[%swap3A_31, %swap3A_32], %add3A_30 {strides = array<i32>} : memref<64x1xf32, #tpu.memory_space<vmem>>, vector<64x1xf32>,
      %add3A_34 = arith.constant 0 : i32
      %add3A_35 = vector.broadcast %add3A_34 : i32 to vector<640x128xi32>
      %add3A_36 = arith.addi %iota3A, %add3A_35 : vector<640x128xi32>
      %eq3A_37 = arith.cmpi eq, %add3A_36, %broadcast_in_dim3A_9 : vector<640x128xi32>
      %convert_element_type3A_38 = arith.extui %eq3A_37 : vector<640x128xi1> to vector<640x128xi32>
      %convert_element_type3A_39 = arith.sitofp %convert_element_type3A_38 : vector<640x128xi32> to vector<640x128xf32>
      %add3A_40 = arith.constant 128 : i32
      %add3A_41 = vector.broadcast %add3A_40 : i32 to vector<640x128xi32>
      %add3A_42 = arith.addi %iota3A, %add3A_41 : vector<640x128xi32>
      %eq3A_43 = arith.cmpi eq, %add3A_42, %broadcast_in_dim3A_9 : vector<640x128xi32>
      %convert_element_type3A_44 = arith.extui %eq3A_43 : vector<640x128xi1> to vector<640x128xi32>
      %convert_element_type3A_45 = arith.sitofp %convert_element_type3A_44 : vector<640x128xi32> to vector<640x128xf32>
      %add3A_46 = arith.constant 256 : i32
      %add3A_47 = vector.broadcast %add3A_46 : i32 to vector<640x128xi32>
      %add3A_48 = arith.addi %iota3A, %add3A_47 : vector<640x128xi32>
      %eq3A_49 = arith.cmpi eq, %add3A_48, %broadcast_in_dim3A_9 : vector<640x128xi32>
      %convert_element_type3A_50 = arith.extui %eq3A_49 : vector<640x128xi1> to vector<640x128xi32>
      %convert_element_type3A_51 = arith.sitofp %convert_element_type3A_50 : vector<640x128xi32> to vector<640x128xf32>
      %add3A_52 = arith.constant 384 : i32
      %add3A_53 = vector.broadcast %add3A_52 : i32 to vector<640x128xi32>
      %add3A_54 = arith.addi %iota3A, %add3A_53 : vector<640x128xi32>
      %eq3A_55 = arith.cmpi eq, %add3A_54, %broadcast_in_dim3A_9 : vector<640x128xi32>
      %convert_element_type3A_56 = arith.extui %eq3A_55 : vector<640x128xi1> to vector<640x128xi32>
      %convert_element_type3A_57 = arith.sitofp %convert_element_type3A_56 : vector<640x128xi32> to vector<640x128xf32>
      %add3A_58 = arith.constant 512 : i32
      %add3A_59 = vector.broadcast %add3A_58 : i32 to vector<640x128xi32>
      %add3A_60 = arith.addi %iota3A, %add3A_59 : vector<640x128xi32>
      %eq3A_61 = arith.cmpi eq, %add3A_60, %broadcast_in_dim3A_9 : vector<640x128xi32>
      %convert_element_type3A_62 = arith.extui %eq3A_61 : vector<640x128xi1> to vector<640x128xi32>
      %convert_element_type3A_63 = arith.sitofp %convert_element_type3A_62 : vector<640x128xi32> to vector<640x128xf32>
      %add3A_64 = arith.constant 640 : i32
      %add3A_65 = vector.broadcast %add3A_64 : i32 to vector<640x128xi32>
      %add3A_66 = arith.addi %iota3A, %add3A_65 : vector<640x128xi32>
      %eq3A_67 = arith.cmpi eq, %add3A_66, %broadcast_in_dim3A_9 : vector<640x128xi32>
      %convert_element_type3A_68 = arith.extui %eq3A_67 : vector<640x128xi1> to vector<640x128xi32>
      %convert_element_type3A_69 = arith.sitofp %convert_element_type3A_68 : vector<640x128xi32> to vector<640x128xf32>
      %add3A_70 = arith.constant 768 : i32
      %add3A_71 = vector.broadcast %add3A_70 : i32 to vector<640x128xi32>
      %add3A_72 = arith.addi %iota3A, %add3A_71 : vector<640x128xi32>
      %eq3A_73 = arith.cmpi eq, %add3A_72, %broadcast_in_dim3A_9 : vector<640x128xi32>
      %convert_element_type3A_74 = arith.extui %eq3A_73 : vector<640x128xi1> to vector<640x128xi32>
      %convert_element_type3A_75 = arith.sitofp %convert_element_type3A_74 : vector<640x128xi32> to vector<640x128xf32>
      %add3A_76 = arith.constant 896 : i32
      %add3A_77 = vector.broadcast %add3A_76 : i32 to vector<640x128xi32>
      %add3A_78 = arith.addi %iota3A, %add3A_77 : vector<640x128xi32>
      %eq3A_79 = arith.cmpi eq, %add3A_78, %broadcast_in_dim3A_9 : vector<640x128xi32>
      %convert_element_type3A_80 = arith.extui %eq3A_79 : vector<640x128xi1> to vector<640x128xi32>
      %convert_element_type3A_81 = arith.sitofp %convert_element_type3A_80 : vector<640x128xi32> to vector<640x128xf32>
      %add3A_82 = arith.constant 1024 : i32
      %add3A_83 = vector.broadcast %add3A_82 : i32 to vector<640x128xi32>
      %add3A_84 = arith.addi %iota3A, %add3A_83 : vector<640x128xi32>
      %eq3A_85 = arith.cmpi eq, %add3A_84, %broadcast_in_dim3A_9 : vector<640x128xi32>
      %convert_element_type3A_86 = arith.extui %eq3A_85 : vector<640x128xi1> to vector<640x128xi32>
      %convert_element_type3A_87 = arith.sitofp %convert_element_type3A_86 : vector<640x128xi32> to vector<640x128xf32>
      %add3A_88 = arith.constant 1152 : i32
      %add3A_89 = vector.broadcast %add3A_88 : i32 to vector<640x128xi32>
      %add3A_90 = arith.addi %iota3A, %add3A_89 : vector<640x128xi32>
      %eq3A_91 = arith.cmpi eq, %add3A_90, %broadcast_in_dim3A_9 : vector<640x128xi32>
      %convert_element_type3A_92 = arith.extui %eq3A_91 : vector<640x128xi1> to vector<640x128xi32>
      %convert_element_type3A_93 = arith.sitofp %convert_element_type3A_92 : vector<640x128xi32> to vector<640x128xf32>
      %add3A_94 = arith.constant 1280 : i32
      %add3A_95 = vector.broadcast %add3A_94 : i32 to vector<640x128xi32>
      %add3A_96 = arith.addi %iota3A, %add3A_95 : vector<640x128xi32>
      %eq3A_97 = arith.cmpi eq, %add3A_96, %broadcast_in_dim3A_9 : vector<640x128xi32>
      %convert_element_type3A_98 = arith.extui %eq3A_97 : vector<640x128xi1> to vector<640x128xi32>
      %convert_element_type3A_99 = arith.sitofp %convert_element_type3A_98 : vector<640x128xi32> to vector<640x128xf32>
      %add3A_100 = arith.constant 1408 : i32
      %add3A_101 = vector.broadcast %add3A_100 : i32 to vector<640x128xi32>
      %add3A_102 = arith.addi %iota3A, %add3A_101 : vector<640x128xi32>
      %eq3A_103 = arith.cmpi eq, %add3A_102, %broadcast_in_dim3A_9 : vector<640x128xi32>
      %convert_element_type3A_104 = arith.extui %eq3A_103 : vector<640x128xi1> to vector<640x128xi32>
      %convert_element_type3A_105 = arith.sitofp %convert_element_type3A_104 : vector<640x128xi32> to vector<640x128xf32>
      %add3A_106 = arith.constant 1536 : i32
      %add3A_107 = vector.broadcast %add3A_106 : i32 to vector<640x128xi32>
      %add3A_108 = arith.addi %iota3A, %add3A_107 : vector<640x128xi32>
      %eq3A_109 = arith.cmpi eq, %add3A_108, %broadcast_in_dim3A_9 : vector<640x128xi32>
      %convert_element_type3A_110 = arith.extui %eq3A_109 : vector<640x128xi1> to vector<640x128xi32>
      %convert_element_type3A_111 = arith.sitofp %convert_element_type3A_110 : vector<640x128xi32> to vector<640x128xf32>
      %add3A_112 = arith.constant 1664 : i32
      %add3A_113 = vector.broadcast %add3A_112 : i32 to vector<640x128xi32>
      %add3A_114 = arith.addi %iota3A, %add3A_113 : vector<640x128xi32>
      %eq3A_115 = arith.cmpi eq, %add3A_114, %broadcast_in_dim3A_9 : vector<640x128xi32>
      %convert_element_type3A_116 = arith.extui %eq3A_115 : vector<640x128xi1> to vector<640x128xi32>
      %convert_element_type3A_117 = arith.sitofp %convert_element_type3A_116 : vector<640x128xi32> to vector<640x128xf32>
      %add3A_118 = arith.constant 1792 : i32
      %add3A_119 = vector.broadcast %add3A_118 : i32 to vector<640x128xi32>
      %add3A_120 = arith.addi %iota3A, %add3A_119 : vector<640x128xi32>
      %eq3A_121 = arith.cmpi eq, %add3A_120, %broadcast_in_dim3A_9 : vector<640x128xi32>
      %convert_element_type3A_122 = arith.extui %eq3A_121 : vector<640x128xi1> to vector<640x128xi32>
      %convert_element_type3A_123 = arith.sitofp %convert_element_type3A_122 : vector<640x128xi32> to vector<640x128xf32>
      %add3A_124 = arith.constant 1920 : i32
      %add3A_125 = vector.broadcast %add3A_124 : i32 to vector<640x128xi32>
      %add3A_126 = arith.addi %iota3A, %add3A_125 : vector<640x128xi32>
      %eq3A_127 = arith.cmpi eq, %add3A_126, %broadcast_in_dim3A_9 : vector<640x128xi32>
      %convert_element_type3A_128 = arith.extui %eq3A_127 : vector<640x128xi1> to vector<640x128xi32>
      %convert_element_type3A_129 = arith.sitofp %convert_element_type3A_128 : vector<640x128xi32> to vector<640x128xf32>
      %add3A_130 = arith.constant 2048 : i32
      %add3A_131 = vector.broadcast %add3A_130 : i32 to vector<640x128xi32>
      %add3A_132 = arith.addi %iota3A, %add3A_131 : vector<640x128xi32>
      %eq3A_133 = arith.cmpi eq, %add3A_132, %broadcast_in_dim3A_9 : vector<640x128xi32>
      %convert_element_type3A_134 = arith.extui %eq3A_133 : vector<640x128xi1> to vector<640x128xi32>
      %convert_element_type3A_135 = arith.sitofp %convert_element_type3A_134 : vector<640x128xi32> to vector<640x128xf32>
      %add3A_136 = arith.constant 2176 : i32
      %add3A_137 = vector.broadcast %add3A_136 : i32 to vector<640x128xi32>
      %add3A_138 = arith.addi %iota3A, %add3A_137 : vector<640x128xi32>
      %eq3A_139 = arith.cmpi eq, %add3A_138, %broadcast_in_dim3A_9 : vector<640x128xi32>
      %convert_element_type3A_140 = arith.extui %eq3A_139 : vector<640x128xi1> to vector<640x128xi32>
      %convert_element_type3A_141 = arith.sitofp %convert_element_type3A_140 : vector<640x128xi32> to vector<640x128xf32>
      %add3A_142 = arith.constant 2304 : i32
      %add3A_143 = vector.broadcast %add3A_142 : i32 to vector<640x128xi32>
      %add3A_144 = arith.addi %iota3A, %add3A_143 : vector<640x128xi32>
      %eq3A_145 = arith.cmpi eq, %add3A_144, %broadcast_in_dim3A_9 : vector<640x128xi32>
      %convert_element_type3A_146 = arith.extui %eq3A_145 : vector<640x128xi1> to vector<640x128xi32>
      %convert_element_type3A_147 = arith.sitofp %convert_element_type3A_146 : vector<640x128xi32> to vector<640x128xf32>
      %add3A_148 = arith.constant 2432 : i32
      %add3A_149 = vector.broadcast %add3A_148 : i32 to vector<640x128xi32>
      %add3A_150 = arith.addi %iota3A, %add3A_149 : vector<640x128xi32>
      %eq3A_151 = arith.cmpi eq, %add3A_150, %broadcast_in_dim3A_9 : vector<640x128xi32>
      %convert_element_type3A_152 = arith.extui %eq3A_151 : vector<640x128xi1> to vector<640x128xi32>
      %convert_element_type3A_153 = arith.sitofp %convert_element_type3A_152 : vector<640x128xi32> to vector<640x128xf32>
      %add3A_154 = arith.constant 2560 : i32
      %add3A_155 = vector.broadcast %add3A_154 : i32 to vector<640x128xi32>
      %add3A_156 = arith.addi %iota3A, %add3A_155 : vector<640x128xi32>
      %eq3A_157 = arith.cmpi eq, %add3A_156, %broadcast_in_dim3A_9 : vector<640x128xi32>
      %convert_element_type3A_158 = arith.extui %eq3A_157 : vector<640x128xi1> to vector<640x128xi32>
      %convert_element_type3A_159 = arith.sitofp %convert_element_type3A_158 : vector<640x128xi32> to vector<640x128xf32>
      %add3A_160 = arith.constant 2688 : i32
      %add3A_161 = vector.broadcast %add3A_160 : i32 to vector<640x128xi32>
      %add3A_162 = arith.addi %iota3A, %add3A_161 : vector<640x128xi32>
      %eq3A_163 = arith.cmpi eq, %add3A_162, %broadcast_in_dim3A_9 : vector<640x128xi32>
      %convert_element_type3A_164 = arith.extui %eq3A_163 : vector<640x128xi1> to vector<640x128xi32>
      %convert_element_type3A_165 = arith.sitofp %convert_element_type3A_164 : vector<640x128xi32> to vector<640x128xf32>
      %add3A_166 = arith.constant 2816 : i32
      %add3A_167 = vector.broadcast %add3A_166 : i32 to vector<640x128xi32>
      %add3A_168 = arith.addi %iota3A, %add3A_167 : vector<640x128xi32>
      %eq3A_169 = arith.cmpi eq, %add3A_168, %broadcast_in_dim3A_9 : vector<640x128xi32>
      %convert_element_type3A_170 = arith.extui %eq3A_169 : vector<640x128xi1> to vector<640x128xi32>
      %convert_element_type3A_171 = arith.sitofp %convert_element_type3A_170 : vector<640x128xi32> to vector<640x128xf32>
      %add3A_172 = arith.constant 2944 : i32
      %add3A_173 = vector.broadcast %add3A_172 : i32 to vector<640x128xi32>
      %add3A_174 = arith.addi %iota3A, %add3A_173 : vector<640x128xi32>
      %eq3A_175 = arith.cmpi eq, %add3A_174, %broadcast_in_dim3A_9 : vector<640x128xi32>
      %convert_element_type3A_176 = arith.extui %eq3A_175 : vector<640x128xi1> to vector<640x128xi32>
      %convert_element_type3A_177 = arith.sitofp %convert_element_type3A_176 : vector<640x128xi32> to vector<640x128xf32>
      %add3A_178 = arith.constant 3072 : i32
      %add3A_179 = vector.broadcast %add3A_178 : i32 to vector<640x128xi32>
      %add3A_180 = arith.addi %iota3A, %add3A_179 : vector<640x128xi32>
      %eq3A_181 = arith.cmpi eq, %add3A_180, %broadcast_in_dim3A_9 : vector<640x128xi32>
      %convert_element_type3A_182 = arith.extui %eq3A_181 : vector<640x128xi1> to vector<640x128xi32>
      %convert_element_type3A_183 = arith.sitofp %convert_element_type3A_182 : vector<640x128xi32> to vector<640x128xf32>
      %add3A_184 = arith.constant 3200 : i32
      %add3A_185 = vector.broadcast %add3A_184 : i32 to vector<640x128xi32>
      %add3A_186 = arith.addi %iota3A, %add3A_185 : vector<640x128xi32>
      %eq3A_187 = arith.cmpi eq, %add3A_186, %broadcast_in_dim3A_9 : vector<640x128xi32>
      %convert_element_type3A_188 = arith.extui %eq3A_187 : vector<640x128xi1> to vector<640x128xi32>
      %convert_element_type3A_189 = arith.sitofp %convert_element_type3A_188 : vector<640x128xi32> to vector<640x128xf32>
      %add3A_190 = arith.constant 3328 : i32
      %add3A_191 = vector.broadcast %add3A_190 : i32 to vector<640x128xi32>
      %add3A_192 = arith.addi %iota3A, %add3A_191 : vector<640x128xi32>
      %eq3A_193 = arith.cmpi eq, %add3A_192, %broadcast_in_dim3A_9 : vector<640x128xi32>
      %convert_element_type3A_194 = arith.extui %eq3A_193 : vector<640x128xi1> to vector<640x128xi32>
      %convert_element_type3A_195 = arith.sitofp %convert_element_type3A_194 : vector<640x128xi32> to vector<640x128xf32>
      %add3A_196 = arith.constant 3456 : i32
      %add3A_197 = vector.broadcast %add3A_196 : i32 to vector<640x128xi32>
      %add3A_198 = arith.addi %iota3A, %add3A_197 : vector<640x128xi32>
      %eq3A_199 = arith.cmpi eq, %add3A_198, %broadcast_in_dim3A_9 : vector<640x128xi32>
      %convert_element_type3A_200 = arith.extui %eq3A_199 : vector<640x128xi1> to vector<640x128xi32>
      %convert_element_type3A_201 = arith.sitofp %convert_element_type3A_200 : vector<640x128xi32> to vector<640x128xf32>
      %add3A_202 = arith.constant 3584 : i32
      %add3A_203 = vector.broadcast %add3A_202 : i32 to vector<640x128xi32>
      %add3A_204 = arith.addi %iota3A, %add3A_203 : vector<640x128xi32>
      %eq3A_205 = arith.cmpi eq, %add3A_204, %broadcast_in_dim3A_9 : vector<640x128xi32>
      %convert_element_type3A_206 = arith.extui %eq3A_205 : vector<640x128xi1> to vector<640x128xi32>
      %convert_element_type3A_207 = arith.sitofp %convert_element_type3A_206 : vector<640x128xi32> to vector<640x128xf32>
      %add3A_208 = arith.constant 3712 : i32
      %add3A_209 = vector.broadcast %add3A_208 : i32 to vector<640x128xi32>
      %add3A_210 = arith.addi %iota3A, %add3A_209 : vector<640x128xi32>
      %eq3A_211 = arith.cmpi eq, %add3A_210, %broadcast_in_dim3A_9 : vector<640x128xi32>
      %convert_element_type3A_212 = arith.extui %eq3A_211 : vector<640x128xi1> to vector<640x128xi32>
      %convert_element_type3A_213 = arith.sitofp %convert_element_type3A_212 : vector<640x128xi32> to vector<640x128xf32>
      %add3A_214 = arith.constant 3840 : i32
      %add3A_215 = vector.broadcast %add3A_214 : i32 to vector<640x128xi32>
      %add3A_216 = arith.addi %iota3A, %add3A_215 : vector<640x128xi32>
      %eq3A_217 = arith.cmpi eq, %add3A_216, %broadcast_in_dim3A_9 : vector<640x128xi32>
      %convert_element_type3A_218 = arith.extui %eq3A_217 : vector<640x128xi1> to vector<640x128xi32>
      %convert_element_type3A_219 = arith.sitofp %convert_element_type3A_218 : vector<640x128xi32> to vector<640x128xf32>
      %add3A_220 = arith.constant 3968 : i32
      %add3A_221 = vector.broadcast %add3A_220 : i32 to vector<640x128xi32>
      %add3A_222 = arith.addi %iota3A, %add3A_221 : vector<640x128xi32>
      %eq3A_223 = arith.cmpi eq, %add3A_222, %broadcast_in_dim3A_9 : vector<640x128xi32>
      %convert_element_type3A_224 = arith.extui %eq3A_223 : vector<640x128xi1> to vector<640x128xi32>
      %convert_element_type3A_225 = arith.sitofp %convert_element_type3A_224 : vector<640x128xi32> to vector<640x128xf32>
      %add3A_226 = arith.constant 4096 : i32
      %add3A_227 = vector.broadcast %add3A_226 : i32 to vector<640x128xi32>
      %add3A_228 = arith.addi %iota3A, %add3A_227 : vector<640x128xi32>
      %eq3A_229 = arith.cmpi eq, %add3A_228, %broadcast_in_dim3A_9 : vector<640x128xi32>
      %convert_element_type3A_230 = arith.extui %eq3A_229 : vector<640x128xi1> to vector<640x128xi32>
      %convert_element_type3A_231 = arith.sitofp %convert_element_type3A_230 : vector<640x128xi32> to vector<640x128xf32>
      %add3A_232 = arith.constant 4224 : i32
      %add3A_233 = vector.broadcast %add3A_232 : i32 to vector<640x128xi32>
      %add3A_234 = arith.addi %iota3A, %add3A_233 : vector<640x128xi32>
      %eq3A_235 = arith.cmpi eq, %add3A_234, %broadcast_in_dim3A_9 : vector<640x128xi32>
      %convert_element_type3A_236 = arith.extui %eq3A_235 : vector<640x128xi1> to vector<640x128xi32>
      %convert_element_type3A_237 = arith.sitofp %convert_element_type3A_236 : vector<640x128xi32> to vector<640x128xf32>
      %add3A_238 = arith.constant 4352 : i32
      %add3A_239 = vector.broadcast %add3A_238 : i32 to vector<640x128xi32>
      %add3A_240 = arith.addi %iota3A, %add3A_239 : vector<640x128xi32>
      %eq3A_241 = arith.cmpi eq, %add3A_240, %broadcast_in_dim3A_9 : vector<640x128xi32>
      %convert_element_type3A_242 = arith.extui %eq3A_241 : vector<640x128xi1> to vector<640x128xi32>
      %convert_element_type3A_243 = arith.sitofp %convert_element_type3A_242 : vector<640x128xi32> to vector<640x128xf32>
      %add3A_244 = arith.constant 4480 : i32
      %add3A_245 = vector.broadcast %add3A_244 : i32 to vector<640x128xi32>
      %add3A_246 = arith.addi %iota3A, %add3A_245 : vector<640x128xi32>
      %eq3A_247 = arith.cmpi eq, %add3A_246, %broadcast_in_dim3A_9 : vector<640x128xi32>
      %convert_element_type3A_248 = arith.extui %eq3A_247 : vector<640x128xi1> to vector<640x128xi32>
      %convert_element_type3A_249 = arith.sitofp %convert_element_type3A_248 : vector<640x128xi32> to vector<640x128xf32>
      %add3A_250 = arith.constant 4608 : i32
      %add3A_251 = vector.broadcast %add3A_250 : i32 to vector<640x128xi32>
      %add3A_252 = arith.addi %iota3A, %add3A_251 : vector<640x128xi32>
      %eq3A_253 = arith.cmpi eq, %add3A_252, %broadcast_in_dim3A_9 : vector<640x128xi32>
      %convert_element_type3A_254 = arith.extui %eq3A_253 : vector<640x128xi1> to vector<640x128xi32>
      %convert_element_type3A_255 = arith.sitofp %convert_element_type3A_254 : vector<640x128xi32> to vector<640x128xf32>
      %add3A_256 = arith.constant 4736 : i32
      %add3A_257 = vector.broadcast %add3A_256 : i32 to vector<640x128xi32>
      %add3A_258 = arith.addi %iota3A, %add3A_257 : vector<640x128xi32>
      %eq3A_259 = arith.cmpi eq, %add3A_258, %broadcast_in_dim3A_9 : vector<640x128xi32>
      %convert_element_type3A_260 = arith.extui %eq3A_259 : vector<640x128xi1> to vector<640x128xi32>
      %convert_element_type3A_261 = arith.sitofp %convert_element_type3A_260 : vector<640x128xi32> to vector<640x128xf32>
      %add3A_262 = arith.constant 4864 : i32
      %add3A_263 = vector.broadcast %add3A_262 : i32 to vector<640x128xi32>
      %add3A_264 = arith.addi %iota3A, %add3A_263 : vector<640x128xi32>
      %eq3A_265 = arith.cmpi eq, %add3A_264, %broadcast_in_dim3A_9 : vector<640x128xi32>
      %convert_element_type3A_266 = arith.extui %eq3A_265 : vector<640x128xi1> to vector<640x128xi32>
      %convert_element_type3A_267 = arith.sitofp %convert_element_type3A_266 : vector<640x128xi32> to vector<640x128xf32>
      %add3A_268 = arith.constant 4992 : i32
      %add3A_269 = vector.broadcast %add3A_268 : i32 to vector<640x128xi32>
      %add3A_270 = arith.addi %iota3A, %add3A_269 : vector<640x128xi32>
      %eq3A_271 = arith.cmpi eq, %add3A_270, %broadcast_in_dim3A_9 : vector<640x128xi32>
      %convert_element_type3A_272 = arith.extui %eq3A_271 : vector<640x128xi1> to vector<640x128xi32>
      %convert_element_type3A_273 = arith.sitofp %convert_element_type3A_272 : vector<640x128xi32> to vector<640x128xf32>
      %add3A_274 = arith.constant 5120 : i32
      %add3A_275 = vector.broadcast %add3A_274 : i32 to vector<640x128xi32>
      %add3A_276 = arith.addi %iota3A, %add3A_275 : vector<640x128xi32>
      %eq3A_277 = arith.cmpi eq, %add3A_276, %broadcast_in_dim3A_9 : vector<640x128xi32>
      %convert_element_type3A_278 = arith.extui %eq3A_277 : vector<640x128xi1> to vector<640x128xi32>
      %convert_element_type3A_279 = arith.sitofp %convert_element_type3A_278 : vector<640x128xi32> to vector<640x128xf32>
      %add3A_280 = arith.constant 5248 : i32
      %add3A_281 = vector.broadcast %add3A_280 : i32 to vector<640x128xi32>
      %add3A_282 = arith.addi %iota3A, %add3A_281 : vector<640x128xi32>
      %eq3A_283 = arith.cmpi eq, %add3A_282, %broadcast_in_dim3A_9 : vector<640x128xi32>
      %convert_element_type3A_284 = arith.extui %eq3A_283 : vector<640x128xi1> to vector<640x128xi32>
      %convert_element_type3A_285 = arith.sitofp %convert_element_type3A_284 : vector<640x128xi32> to vector<640x128xf32>
      %add3A_286 = arith.constant 5376 : i32
      %add3A_287 = vector.broadcast %add3A_286 : i32 to vector<640x128xi32>
      %add3A_288 = arith.addi %iota3A, %add3A_287 : vector<640x128xi32>
      %eq3A_289 = arith.cmpi eq, %add3A_288, %broadcast_in_dim3A_9 : vector<640x128xi32>
      %convert_element_type3A_290 = arith.extui %eq3A_289 : vector<640x128xi1> to vector<640x128xi32>
      %convert_element_type3A_291 = arith.sitofp %convert_element_type3A_290 : vector<640x128xi32> to vector<640x128xf32>
      %add3A_292 = arith.constant 5504 : i32
      %add3A_293 = vector.broadcast %add3A_292 : i32 to vector<640x128xi32>
      %add3A_294 = arith.addi %iota3A, %add3A_293 : vector<640x128xi32>
      %eq3A_295 = arith.cmpi eq, %add3A_294, %broadcast_in_dim3A_9 : vector<640x128xi32>
      %convert_element_type3A_296 = arith.extui %eq3A_295 : vector<640x128xi1> to vector<640x128xi32>
      %convert_element_type3A_297 = arith.sitofp %convert_element_type3A_296 : vector<640x128xi32> to vector<640x128xf32>
      %add3A_298 = arith.constant 5632 : i32
      %add3A_299 = vector.broadcast %add3A_298 : i32 to vector<640x128xi32>
      %add3A_300 = arith.addi %iota3A, %add3A_299 : vector<640x128xi32>
      %eq3A_301 = arith.cmpi eq, %add3A_300, %broadcast_in_dim3A_9 : vector<640x128xi32>
      %convert_element_type3A_302 = arith.extui %eq3A_301 : vector<640x128xi1> to vector<640x128xi32>
      %convert_element_type3A_303 = arith.sitofp %convert_element_type3A_302 : vector<640x128xi32> to vector<640x128xf32>
      %add3A_304 = arith.constant 5760 : i32
      %add3A_305 = vector.broadcast %add3A_304 : i32 to vector<640x128xi32>
      %add3A_306 = arith.addi %iota3A, %add3A_305 : vector<640x128xi32>
      %eq3A_307 = arith.cmpi eq, %add3A_306, %broadcast_in_dim3A_9 : vector<640x128xi32>
      %convert_element_type3A_308 = arith.extui %eq3A_307 : vector<640x128xi1> to vector<640x128xi32>
      %convert_element_type3A_309 = arith.sitofp %convert_element_type3A_308 : vector<640x128xi32> to vector<640x128xf32>
      %add3A_310 = arith.constant 5888 : i32
      %add3A_311 = vector.broadcast %add3A_310 : i32 to vector<640x128xi32>
      %add3A_312 = arith.addi %iota3A, %add3A_311 : vector<640x128xi32>
      %eq3A_313 = arith.cmpi eq, %add3A_312, %broadcast_in_dim3A_9 : vector<640x128xi32>
      %convert_element_type3A_314 = arith.extui %eq3A_313 : vector<640x128xi1> to vector<640x128xi32>
      %convert_element_type3A_315 = arith.sitofp %convert_element_type3A_314 : vector<640x128xi32> to vector<640x128xf32>
      %add3A_316 = arith.constant 6016 : i32
      %add3A_317 = vector.broadcast %add3A_316 : i32 to vector<640x128xi32>
      %add3A_318 = arith.addi %iota3A, %add3A_317 : vector<640x128xi32>
      %eq3A_319 = arith.cmpi eq, %add3A_318, %broadcast_in_dim3A_9 : vector<640x128xi32>
      %convert_element_type3A_320 = arith.extui %eq3A_319 : vector<640x128xi1> to vector<640x128xi32>
      %convert_element_type3A_321 = arith.sitofp %convert_element_type3A_320 : vector<640x128xi32> to vector<640x128xf32>
      %add3A_322 = arith.constant 6144 : i32
      %add3A_323 = vector.broadcast %add3A_322 : i32 to vector<640x128xi32>
      %add3A_324 = arith.addi %iota3A, %add3A_323 : vector<640x128xi32>
      %eq3A_325 = arith.cmpi eq, %add3A_324, %broadcast_in_dim3A_9 : vector<640x128xi32>
      %convert_element_type3A_326 = arith.extui %eq3A_325 : vector<640x128xi1> to vector<640x128xi32>
      %convert_element_type3A_327 = arith.sitofp %convert_element_type3A_326 : vector<640x128xi32> to vector<640x128xf32>
      %add3A_328 = arith.constant 6272 : i32
      %add3A_329 = vector.broadcast %add3A_328 : i32 to vector<640x128xi32>
      %add3A_330 = arith.addi %iota3A, %add3A_329 : vector<640x128xi32>
      %eq3A_331 = arith.cmpi eq, %add3A_330, %broadcast_in_dim3A_9 : vector<640x128xi32>
      %convert_element_type3A_332 = arith.extui %eq3A_331 : vector<640x128xi1> to vector<640x128xi32>
      %convert_element_type3A_333 = arith.sitofp %convert_element_type3A_332 : vector<640x128xi32> to vector<640x128xf32>
      %add3A_334 = arith.constant 6400 : i32
      %add3A_335 = vector.broadcast %add3A_334 : i32 to vector<640x128xi32>
      %add3A_336 = arith.addi %iota3A, %add3A_335 : vector<640x128xi32>
      %eq3A_337 = arith.cmpi eq, %add3A_336, %broadcast_in_dim3A_9 : vector<640x128xi32>
      %convert_element_type3A_338 = arith.extui %eq3A_337 : vector<640x128xi1> to vector<640x128xi32>
      %convert_element_type3A_339 = arith.sitofp %convert_element_type3A_338 : vector<640x128xi32> to vector<640x128xf32>
      %add3A_340 = arith.constant 6528 : i32
      %add3A_341 = vector.broadcast %add3A_340 : i32 to vector<640x128xi32>
      %add3A_342 = arith.addi %iota3A, %add3A_341 : vector<640x128xi32>
      %eq3A_343 = arith.cmpi eq, %add3A_342, %broadcast_in_dim3A_9 : vector<640x128xi32>
      %convert_element_type3A_344 = arith.extui %eq3A_343 : vector<640x128xi1> to vector<640x128xi32>
      %convert_element_type3A_345 = arith.sitofp %convert_element_type3A_344 : vector<640x128xi32> to vector<640x128xf32>
      %add3A_346 = arith.constant 6656 : i32
      %add3A_347 = vector.broadcast %add3A_346 : i32 to vector<640x128xi32>
      %add3A_348 = arith.addi %iota3A, %add3A_347 : vector<640x128xi32>
      %eq3A_349 = arith.cmpi eq, %add3A_348, %broadcast_in_dim3A_9 : vector<640x128xi32>
      %convert_element_type3A_350 = arith.extui %eq3A_349 : vector<640x128xi1> to vector<640x128xi32>
      %convert_element_type3A_351 = arith.sitofp %convert_element_type3A_350 : vector<640x128xi32> to vector<640x128xf32>
      %add3A_352 = arith.constant 6784 : i32
      %add3A_353 = vector.broadcast %add3A_352 : i32 to vector<640x128xi32>
      %add3A_354 = arith.addi %iota3A, %add3A_353 : vector<640x128xi32>
      %eq3A_355 = arith.cmpi eq, %add3A_354, %broadcast_in_dim3A_9 : vector<640x128xi32>
      %convert_element_type3A_356 = arith.extui %eq3A_355 : vector<640x128xi1> to vector<640x128xi32>
      %convert_element_type3A_357 = arith.sitofp %convert_element_type3A_356 : vector<640x128xi32> to vector<640x128xf32>
      %add3A_358 = arith.constant 6912 : i32
      %add3A_359 = vector.broadcast %add3A_358 : i32 to vector<640x128xi32>
      %add3A_360 = arith.addi %iota3A, %add3A_359 : vector<640x128xi32>
      %eq3A_361 = arith.cmpi eq, %add3A_360, %broadcast_in_dim3A_9 : vector<640x128xi32>
      %convert_element_type3A_362 = arith.extui %eq3A_361 : vector<640x128xi1> to vector<640x128xi32>
      %convert_element_type3A_363 = arith.sitofp %convert_element_type3A_362 : vector<640x128xi32> to vector<640x128xf32>
      %add3A_364 = arith.constant 7040 : i32
      %add3A_365 = vector.broadcast %add3A_364 : i32 to vector<640x128xi32>
      %add3A_366 = arith.addi %iota3A, %add3A_365 : vector<640x128xi32>
      %eq3A_367 = arith.cmpi eq, %add3A_366, %broadcast_in_dim3A_9 : vector<640x128xi32>
      %convert_element_type3A_368 = arith.extui %eq3A_367 : vector<640x128xi1> to vector<640x128xi32>
      %convert_element_type3A_369 = arith.sitofp %convert_element_type3A_368 : vector<640x128xi32> to vector<640x128xf32>
      %add3A_370 = arith.constant 7168 : i32
      %add3A_371 = vector.broadcast %add3A_370 : i32 to vector<640x128xi32>
      %add3A_372 = arith.addi %iota3A, %add3A_371 : vector<640x128xi32>
      %eq3A_373 = arith.cmpi eq, %add3A_372, %broadcast_in_dim3A_9 : vector<640x128xi32>
      %convert_element_type3A_374 = arith.extui %eq3A_373 : vector<640x128xi1> to vector<640x128xi32>
      %convert_element_type3A_375 = arith.sitofp %convert_element_type3A_374 : vector<640x128xi32> to vector<640x128xf32>
      %add3A_376 = arith.constant 7296 : i32
      %add3A_377 = vector.broadcast %add3A_376 : i32 to vector<640x128xi32>
      %add3A_378 = arith.addi %iota3A, %add3A_377 : vector<640x128xi32>
      %eq3A_379 = arith.cmpi eq, %add3A_378, %broadcast_in_dim3A_9 : vector<640x128xi32>
      %convert_element_type3A_380 = arith.extui %eq3A_379 : vector<640x128xi1> to vector<640x128xi32>
      %convert_element_type3A_381 = arith.sitofp %convert_element_type3A_380 : vector<640x128xi32> to vector<640x128xf32>
      %add3A_382 = arith.constant 7424 : i32
      %add3A_383 = vector.broadcast %add3A_382 : i32 to vector<640x128xi32>
      %add3A_384 = arith.addi %iota3A, %add3A_383 : vector<640x128xi32>
      %eq3A_385 = arith.cmpi eq, %add3A_384, %broadcast_in_dim3A_9 : vector<640x128xi32>
      %convert_element_type3A_386 = arith.extui %eq3A_385 : vector<640x128xi1> to vector<640x128xi32>
      %convert_element_type3A_387 = arith.sitofp %convert_element_type3A_386 : vector<640x128xi32> to vector<640x128xf32>
      %add3A_388 = arith.constant 7552 : i32
      %add3A_389 = vector.broadcast %add3A_388 : i32 to vector<640x128xi32>
      %add3A_390 = arith.addi %iota3A, %add3A_389 : vector<640x128xi32>
      %eq3A_391 = arith.cmpi eq, %add3A_390, %broadcast_in_dim3A_9 : vector<640x128xi32>
      %convert_element_type3A_392 = arith.extui %eq3A_391 : vector<640x128xi1> to vector<640x128xi32>
      %convert_element_type3A_393 = arith.sitofp %convert_element_type3A_392 : vector<640x128xi32> to vector<640x128xf32>
      %add3A_394 = arith.constant 7680 : i32
      %add3A_395 = vector.broadcast %add3A_394 : i32 to vector<640x128xi32>
      %add3A_396 = arith.addi %iota3A, %add3A_395 : vector<640x128xi32>
      %eq3A_397 = arith.cmpi eq, %add3A_396, %broadcast_in_dim3A_9 : vector<640x128xi32>
      %convert_element_type3A_398 = arith.extui %eq3A_397 : vector<640x128xi1> to vector<640x128xi32>
      %convert_element_type3A_399 = arith.sitofp %convert_element_type3A_398 : vector<640x128xi32> to vector<640x128xf32>
      %add3A_400 = arith.constant 7808 : i32
      %add3A_401 = vector.broadcast %add3A_400 : i32 to vector<640x128xi32>
      %add3A_402 = arith.addi %iota3A, %add3A_401 : vector<640x128xi32>
      %eq3A_403 = arith.cmpi eq, %add3A_402, %broadcast_in_dim3A_9 : vector<640x128xi32>
      %convert_element_type3A_404 = arith.extui %eq3A_403 : vector<640x128xi1> to vector<640x128xi32>
      %convert_element_type3A_405 = arith.sitofp %convert_element_type3A_404 : vector<640x128xi32> to vector<640x128xf32>
      %add3A_406 = arith.constant 7936 : i32
      %add3A_407 = vector.broadcast %add3A_406 : i32 to vector<640x128xi32>
      %add3A_408 = arith.addi %iota3A, %add3A_407 : vector<640x128xi32>
      %eq3A_409 = arith.cmpi eq, %add3A_408, %broadcast_in_dim3A_9 : vector<640x128xi32>
      %convert_element_type3A_410 = arith.extui %eq3A_409 : vector<640x128xi1> to vector<640x128xi32>
      %convert_element_type3A_411 = arith.sitofp %convert_element_type3A_410 : vector<640x128xi32> to vector<640x128xf32>
      %add3A_412 = arith.constant 8064 : i32
      %add3A_413 = vector.broadcast %add3A_412 : i32 to vector<640x128xi32>
      %add3A_414 = arith.addi %iota3A, %add3A_413 : vector<640x128xi32>
      %eq3A_415 = arith.cmpi eq, %add3A_414, %broadcast_in_dim3A_9 : vector<640x128xi32>
      %convert_element_type3A_416 = arith.extui %eq3A_415 : vector<640x128xi1> to vector<640x128xi32>
      %convert_element_type3A_417 = arith.sitofp %convert_element_type3A_416 : vector<640x128xi32> to vector<640x128xf32>
      %concatenate3A = tpu.concatenate %convert_element_type3A_39, %convert_element_type3A_45, %convert_element_type3A_51, %convert_element_type3A_57, %convert_element_type3A_63, %convert_element_type3A_69, %convert_element_type3A_75, %convert_element_type3A_81, %convert_element_type3A_87, %convert_element_type3A_93, %convert_element_type3A_99, %convert_element_type3A_105, %convert_element_type3A_111, %convert_element_type3A_117, %convert_element_type3A_123, %convert_element_type3A_129, %convert_element_type3A_135, %convert_element_type3A_141, %convert_element_type3A_147, %convert_element_type3A_153, %convert_element_type3A_159, %convert_element_type3A_165, %convert_element_type3A_171, %convert_element_type3A_177, %convert_element_type3A_183, %convert_element_type3A_189, %convert_element_type3A_195, %convert_element_type3A_201, %convert_element_type3A_207, %convert_element_type3A_213, %convert_element_type3A_219, %convert_element_type3A_225, %convert_element_type3A_231, %convert_element_type3A_237, %convert_element_type3A_243, %convert_element_type3A_249, %convert_element_type3A_255, %convert_element_type3A_261, %convert_element_type3A_267, %convert_element_type3A_273, %convert_element_type3A_279, %convert_element_type3A_285, %convert_element_type3A_291, %convert_element_type3A_297, %convert_element_type3A_303, %convert_element_type3A_309, %convert_element_type3A_315, %convert_element_type3A_321, %convert_element_type3A_327, %convert_element_type3A_333, %convert_element_type3A_339, %convert_element_type3A_345, %convert_element_type3A_351, %convert_element_type3A_357, %convert_element_type3A_363, %convert_element_type3A_369, %convert_element_type3A_375, %convert_element_type3A_381, %convert_element_type3A_387, %convert_element_type3A_393, %convert_element_type3A_399, %convert_element_type3A_405, %convert_element_type3A_411, %convert_element_type3A_417 in 1 : vector<640x128xf32>, vector<640x128xf32>, vector<640x128xf32>, vector<640x128xf32>, vector<640x128xf32>, vector<640x128xf32>, vector<640x128xf32>, vector<640x128xf32>, vector<640x128xf32>, vector<640x128xf32>, vector<640x128xf32>, vector<640x128xf32>, vector<640x128xf32>, vector<640x128xf32>, vector<640x128xf32>, vector<640x128xf32>, vector<640x128xf32>, vector<640x128xf32>, vector<640x128xf32>, vector<640x128xf32>, vector<640x128xf32>, vector<640x128xf32>, vector<640x128xf32>, vector<640x128xf32>, vector<640x128xf32>, vector<640x128xf32>, vector<640x128xf32>, vector<640x128xf32>, vector<640x128xf32>, vector<640x128xf32>, vector<640x128xf32>, vector<640x128xf32>, vector<640x128xf32>, vector<640x128xf32>, vector<640x128xf32>, vector<640x128xf32>, vector<640x128xf32>, vector<640x128xf32>, vector<640x128xf32>, vector<640x128xf32>, vector<640x128xf32>, vector<640x128xf32>, vector<640x128xf32>, vector<640x128xf32>, vector<640x128xf32>, vector<640x128xf32>, vector<640x128xf32>, vector<640x128xf32>, vector<640x128xf32>, vector<640x128xf32>, vector<640x128xf32>, vector<640x128xf32>, vector<640x128xf32>, vector<640x128xf32>, vector<640x128xf32>, vector<640x128xf32>, vector<640x128xf32>, vector<640x128xf32>, vector<640x128xf32>, vector<640x128xf32>, vector<640x128xf32>, vector<640x128xf32>, vector<640x128xf32>, vector<640x128xf32> -> vector<640x8192xf32>
      %get3A_418 = arith.constant 0 : index
      %get3A_419 = arith.constant 0 : index
      %get3A_420 = vector.load %arg8[%get3A_418, %get3A_419] : memref<640x64xf32, #tpu.memory_space<vmem>>, vector<640x64xf32>
      %convert_element_type3A_421 = arith.truncf %concatenate3A : vector<640x8192xf32> to vector<640x8192xbf16>
      %convert_element_type3A_422 = arith.truncf %get3A_3 : vector<64x8192xf32> to vector<64x8192xbf16>
      %dot_general3A_423 = arith.constant dense<0.000000e+00> : vector<640x64xf32>
      %dot_general3A_424 = tpu.matmul %convert_element_type3A_421, %convert_element_type3A_422, %dot_general3A_423 {dimension_numbers = #tpu.dot_dimension_numbers<[1], [1], [0], [0], [0, 0, 1, 0], [], []>, transpose_lhs_hint = false} : vector<640x8192xbf16>, vector<64x8192xbf16>, vector<640x64xf32> -> vector<640x64xf32>
      %add3A_425 = arith.addf %get3A_420, %dot_general3A_424 : vector<640x64xf32>
      %swap3A_426 = arith.constant 0 : index
      %swap3A_427 = arith.constant 0 : index
      %swap3A_428 = vector.load %arg8[%swap3A_426, %swap3A_427] : memref<640x64xf32, #tpu.memory_space<vmem>>, vector<640x64xf32>
      tpu.vector_store %arg8[%swap3A_426, %swap3A_427], %add3A_425 {strides = array<i32>} : memref<640x64xf32, #tpu.memory_space<vmem>>, vector<640x64xf32>,
    } else {
    }
    %eq3A_14 = arith.constant 12 : i32
    %eq3A_15 = arith.cmpi eq, %arg0, %eq3A_14 : i32
    %convert_element_type3A_16 = arith.extui %eq3A_15 : i1 to i32
    %cond3A_17 = arith.constant 0 : i32
    %cond3A_18 = arith.cmpi ne, %convert_element_type3A_16, %cond3A_17 : i32
    scf.if %cond3A_18 {
      %iota3A_19 = tpu.iota {dimensions = array<i32: 1>} : vector<64x8192xi32>
      %lt3A_20 = arith.constant 1696 : i32
      %lt3A_21 = vector.broadcast %lt3A_20 : i32 to vector<64x8192xi32>
      %lt3A_22 = arith.cmpi slt, %iota3A_19, %lt3A_21 : vector<64x8192xi32>
      %jit3A = arith.constant 0.000000e+00 : f32
      %broadcast_in_dim3A_23 = vector.broadcast %jit3A : f32 to vector<64x8192xf32>
      %select_n3A = arith.select %lt3A_22, %get3A_3, %broadcast_in_dim3A_23 : vector<64x8192xi1>, vector<64x8192xf32>
      %get3A_24 = arith.constant 0 : index
      %get3A_25 = arith.constant 0 : index
      %get3A_26 = vector.load %arg6[%get3A_24, %get3A_25] : memref<64x64xf32, #tpu.memory_space<vmem>>, vector<64x64xf32>
      %dot_general3A = arith.constant dense<0.000000e+00> : vector<64x64xf32>
      %dot_general3A_27 = tpu.matmul %select_n3A, %select_n3A, %dot_general3A {dimension_numbers = #tpu.dot_dimension_numbers<[1], [1], [0], [0], [0, 0, 1, 0], [], []>, transpose_lhs_hint = false} : vector<64x8192xf32>, vector<64x8192xf32>, vector<64x64xf32> -> vector<64x64xf32>
      %add3A = arith.addf %get3A_26, %dot_general3A_27 : vector<64x64xf32>
      %swap3A = arith.constant 0 : index
      %swap3A_28 = arith.constant 0 : index
      %swap3A_29 = vector.load %arg6[%swap3A, %swap3A_28] : memref<64x64xf32, #tpu.memory_space<vmem>>, vector<64x64xf32>
      tpu.vector_store %arg6[%swap3A, %swap3A_28], %add3A {strides = array<i32>} : memref<64x64xf32, #tpu.memory_space<vmem>>, vector<64x64xf32>,
      %get3A_30 = arith.constant 0 : index
      %get3A_31 = arith.constant 0 : index
      %get3A_32 = vector.load %arg7[%get3A_30, %get3A_31] : memref<64x1xf32, #tpu.memory_space<vmem>>, vector<64x1xf32>
      %reduce_sum3A = arith.constant dense<0.000000e+00> : vector<64xf32>
      %reduce_sum3A_33 = vector.multi_reduction <add>, %select_n3A, %reduce_sum3A [1] : vector<64x8192xf32> to vector<64xf32>
      %broadcast_in_dim3A_34 = vector.shape_cast %reduce_sum3A_33 : vector<64xf32> to vector<64x1xf32>
      %add3A_35 = arith.addf %get3A_32, %broadcast_in_dim3A_34 : vector<64x1xf32>
      %swap3A_36 = arith.constant 0 : index
      %swap3A_37 = arith.constant 0 : index
      %swap3A_38 = vector.load %arg7[%swap3A_36, %swap3A_37] : memref<64x1xf32, #tpu.memory_space<vmem>>, vector<64x1xf32>
      tpu.vector_store %arg7[%swap3A_36, %swap3A_37], %add3A_35 {strides = array<i32>} : memref<64x1xf32, #tpu.memory_space<vmem>>, vector<64x1xf32>,
      %add3A_39 = arith.constant 0 : i32
      %add3A_40 = vector.broadcast %add3A_39 : i32 to vector<640x128xi32>
      %add3A_41 = arith.addi %iota3A, %add3A_40 : vector<640x128xi32>
      %eq3A_42 = arith.cmpi eq, %add3A_41, %broadcast_in_dim3A_9 : vector<640x128xi32>
      %convert_element_type3A_43 = arith.extui %eq3A_42 : vector<640x128xi1> to vector<640x128xi32>
      %convert_element_type3A_44 = arith.sitofp %convert_element_type3A_43 : vector<640x128xi32> to vector<640x128xf32>
      %add3A_45 = arith.constant 128 : i32
      %add3A_46 = vector.broadcast %add3A_45 : i32 to vector<640x128xi32>
      %add3A_47 = arith.addi %iota3A, %add3A_46 : vector<640x128xi32>
      %eq3A_48 = arith.cmpi eq, %add3A_47, %broadcast_in_dim3A_9 : vector<640x128xi32>
      %convert_element_type3A_49 = arith.extui %eq3A_48 : vector<640x128xi1> to vector<640x128xi32>
      %convert_element_type3A_50 = arith.sitofp %convert_element_type3A_49 : vector<640x128xi32> to vector<640x128xf32>
      %add3A_51 = arith.constant 256 : i32
      %add3A_52 = vector.broadcast %add3A_51 : i32 to vector<640x128xi32>
      %add3A_53 = arith.addi %iota3A, %add3A_52 : vector<640x128xi32>
      %eq3A_54 = arith.cmpi eq, %add3A_53, %broadcast_in_dim3A_9 : vector<640x128xi32>
      %convert_element_type3A_55 = arith.extui %eq3A_54 : vector<640x128xi1> to vector<640x128xi32>
      %convert_element_type3A_56 = arith.sitofp %convert_element_type3A_55 : vector<640x128xi32> to vector<640x128xf32>
      %add3A_57 = arith.constant 384 : i32
      %add3A_58 = vector.broadcast %add3A_57 : i32 to vector<640x128xi32>
      %add3A_59 = arith.addi %iota3A, %add3A_58 : vector<640x128xi32>
      %eq3A_60 = arith.cmpi eq, %add3A_59, %broadcast_in_dim3A_9 : vector<640x128xi32>
      %convert_element_type3A_61 = arith.extui %eq3A_60 : vector<640x128xi1> to vector<640x128xi32>
      %convert_element_type3A_62 = arith.sitofp %convert_element_type3A_61 : vector<640x128xi32> to vector<640x128xf32>
      %add3A_63 = arith.constant 512 : i32
      %add3A_64 = vector.broadcast %add3A_63 : i32 to vector<640x128xi32>
      %add3A_65 = arith.addi %iota3A, %add3A_64 : vector<640x128xi32>
      %eq3A_66 = arith.cmpi eq, %add3A_65, %broadcast_in_dim3A_9 : vector<640x128xi32>
      %convert_element_type3A_67 = arith.extui %eq3A_66 : vector<640x128xi1> to vector<640x128xi32>
      %convert_element_type3A_68 = arith.sitofp %convert_element_type3A_67 : vector<640x128xi32> to vector<640x128xf32>
      %add3A_69 = arith.constant 640 : i32
      %add3A_70 = vector.broadcast %add3A_69 : i32 to vector<640x128xi32>
      %add3A_71 = arith.addi %iota3A, %add3A_70 : vector<640x128xi32>
      %eq3A_72 = arith.cmpi eq, %add3A_71, %broadcast_in_dim3A_9 : vector<640x128xi32>
      %convert_element_type3A_73 = arith.extui %eq3A_72 : vector<640x128xi1> to vector<640x128xi32>
      %convert_element_type3A_74 = arith.sitofp %convert_element_type3A_73 : vector<640x128xi32> to vector<640x128xf32>
      %add3A_75 = arith.constant 768 : i32
      %add3A_76 = vector.broadcast %add3A_75 : i32 to vector<640x128xi32>
      %add3A_77 = arith.addi %iota3A, %add3A_76 : vector<640x128xi32>
      %eq3A_78 = arith.cmpi eq, %add3A_77, %broadcast_in_dim3A_9 : vector<640x128xi32>
      %convert_element_type3A_79 = arith.extui %eq3A_78 : vector<640x128xi1> to vector<640x128xi32>
      %convert_element_type3A_80 = arith.sitofp %convert_element_type3A_79 : vector<640x128xi32> to vector<640x128xf32>
      %add3A_81 = arith.constant 896 : i32
      %add3A_82 = vector.broadcast %add3A_81 : i32 to vector<640x128xi32>
      %add3A_83 = arith.addi %iota3A, %add3A_82 : vector<640x128xi32>
      %eq3A_84 = arith.cmpi eq, %add3A_83, %broadcast_in_dim3A_9 : vector<640x128xi32>
      %convert_element_type3A_85 = arith.extui %eq3A_84 : vector<640x128xi1> to vector<640x128xi32>
      %convert_element_type3A_86 = arith.sitofp %convert_element_type3A_85 : vector<640x128xi32> to vector<640x128xf32>
      %add3A_87 = arith.constant 1024 : i32
      %add3A_88 = vector.broadcast %add3A_87 : i32 to vector<640x128xi32>
      %add3A_89 = arith.addi %iota3A, %add3A_88 : vector<640x128xi32>
      %eq3A_90 = arith.cmpi eq, %add3A_89, %broadcast_in_dim3A_9 : vector<640x128xi32>
      %convert_element_type3A_91 = arith.extui %eq3A_90 : vector<640x128xi1> to vector<640x128xi32>
      %convert_element_type3A_92 = arith.sitofp %convert_element_type3A_91 : vector<640x128xi32> to vector<640x128xf32>
      %add3A_93 = arith.constant 1152 : i32
      %add3A_94 = vector.broadcast %add3A_93 : i32 to vector<640x128xi32>
      %add3A_95 = arith.addi %iota3A, %add3A_94 : vector<640x128xi32>
      %eq3A_96 = arith.cmpi eq, %add3A_95, %broadcast_in_dim3A_9 : vector<640x128xi32>
      %convert_element_type3A_97 = arith.extui %eq3A_96 : vector<640x128xi1> to vector<640x128xi32>
      %convert_element_type3A_98 = arith.sitofp %convert_element_type3A_97 : vector<640x128xi32> to vector<640x128xf32>
      %add3A_99 = arith.constant 1280 : i32
      %add3A_100 = vector.broadcast %add3A_99 : i32 to vector<640x128xi32>
      %add3A_101 = arith.addi %iota3A, %add3A_100 : vector<640x128xi32>
      %eq3A_102 = arith.cmpi eq, %add3A_101, %broadcast_in_dim3A_9 : vector<640x128xi32>
      %convert_element_type3A_103 = arith.extui %eq3A_102 : vector<640x128xi1> to vector<640x128xi32>
      %convert_element_type3A_104 = arith.sitofp %convert_element_type3A_103 : vector<640x128xi32> to vector<640x128xf32>
      %add3A_105 = arith.constant 1408 : i32
      %add3A_106 = vector.broadcast %add3A_105 : i32 to vector<640x128xi32>
      %add3A_107 = arith.addi %iota3A, %add3A_106 : vector<640x128xi32>
      %eq3A_108 = arith.cmpi eq, %add3A_107, %broadcast_in_dim3A_9 : vector<640x128xi32>
      %convert_element_type3A_109 = arith.extui %eq3A_108 : vector<640x128xi1> to vector<640x128xi32>
      %convert_element_type3A_110 = arith.sitofp %convert_element_type3A_109 : vector<640x128xi32> to vector<640x128xf32>
      %add3A_111 = arith.constant 1536 : i32
      %add3A_112 = vector.broadcast %add3A_111 : i32 to vector<640x128xi32>
      %add3A_113 = arith.addi %iota3A, %add3A_112 : vector<640x128xi32>
      %eq3A_114 = arith.cmpi eq, %add3A_113, %broadcast_in_dim3A_9 : vector<640x128xi32>
      %convert_element_type3A_115 = arith.extui %eq3A_114 : vector<640x128xi1> to vector<640x128xi32>
      %convert_element_type3A_116 = arith.sitofp %convert_element_type3A_115 : vector<640x128xi32> to vector<640x128xf32>
      %add3A_117 = arith.constant 1664 : i32
      %add3A_118 = vector.broadcast %add3A_117 : i32 to vector<640x128xi32>
      %add3A_119 = arith.addi %iota3A, %add3A_118 : vector<640x128xi32>
      %eq3A_120 = arith.cmpi eq, %add3A_119, %broadcast_in_dim3A_9 : vector<640x128xi32>
      %convert_element_type3A_121 = arith.extui %eq3A_120 : vector<640x128xi1> to vector<640x128xi32>
      %convert_element_type3A_122 = arith.sitofp %convert_element_type3A_121 : vector<640x128xi32> to vector<640x128xf32>
      %add3A_123 = arith.constant 1792 : i32
      %add3A_124 = vector.broadcast %add3A_123 : i32 to vector<640x128xi32>
      %add3A_125 = arith.addi %iota3A, %add3A_124 : vector<640x128xi32>
      %eq3A_126 = arith.cmpi eq, %add3A_125, %broadcast_in_dim3A_9 : vector<640x128xi32>
      %convert_element_type3A_127 = arith.extui %eq3A_126 : vector<640x128xi1> to vector<640x128xi32>
      %convert_element_type3A_128 = arith.sitofp %convert_element_type3A_127 : vector<640x128xi32> to vector<640x128xf32>
      %add3A_129 = arith.constant 1920 : i32
      %add3A_130 = vector.broadcast %add3A_129 : i32 to vector<640x128xi32>
      %add3A_131 = arith.addi %iota3A, %add3A_130 : vector<640x128xi32>
      %eq3A_132 = arith.cmpi eq, %add3A_131, %broadcast_in_dim3A_9 : vector<640x128xi32>
      %convert_element_type3A_133 = arith.extui %eq3A_132 : vector<640x128xi1> to vector<640x128xi32>
      %convert_element_type3A_134 = arith.sitofp %convert_element_type3A_133 : vector<640x128xi32> to vector<640x128xf32>
      %add3A_135 = arith.constant 2048 : i32
      %add3A_136 = vector.broadcast %add3A_135 : i32 to vector<640x128xi32>
      %add3A_137 = arith.addi %iota3A, %add3A_136 : vector<640x128xi32>
      %eq3A_138 = arith.cmpi eq, %add3A_137, %broadcast_in_dim3A_9 : vector<640x128xi32>
      %convert_element_type3A_139 = arith.extui %eq3A_138 : vector<640x128xi1> to vector<640x128xi32>
      %convert_element_type3A_140 = arith.sitofp %convert_element_type3A_139 : vector<640x128xi32> to vector<640x128xf32>
      %add3A_141 = arith.constant 2176 : i32
      %add3A_142 = vector.broadcast %add3A_141 : i32 to vector<640x128xi32>
      %add3A_143 = arith.addi %iota3A, %add3A_142 : vector<640x128xi32>
      %eq3A_144 = arith.cmpi eq, %add3A_143, %broadcast_in_dim3A_9 : vector<640x128xi32>
      %convert_element_type3A_145 = arith.extui %eq3A_144 : vector<640x128xi1> to vector<640x128xi32>
      %convert_element_type3A_146 = arith.sitofp %convert_element_type3A_145 : vector<640x128xi32> to vector<640x128xf32>
      %add3A_147 = arith.constant 2304 : i32
      %add3A_148 = vector.broadcast %add3A_147 : i32 to vector<640x128xi32>
      %add3A_149 = arith.addi %iota3A, %add3A_148 : vector<640x128xi32>
      %eq3A_150 = arith.cmpi eq, %add3A_149, %broadcast_in_dim3A_9 : vector<640x128xi32>
      %convert_element_type3A_151 = arith.extui %eq3A_150 : vector<640x128xi1> to vector<640x128xi32>
      %convert_element_type3A_152 = arith.sitofp %convert_element_type3A_151 : vector<640x128xi32> to vector<640x128xf32>
      %add3A_153 = arith.constant 2432 : i32
      %add3A_154 = vector.broadcast %add3A_153 : i32 to vector<640x128xi32>
      %add3A_155 = arith.addi %iota3A, %add3A_154 : vector<640x128xi32>
      %eq3A_156 = arith.cmpi eq, %add3A_155, %broadcast_in_dim3A_9 : vector<640x128xi32>
      %convert_element_type3A_157 = arith.extui %eq3A_156 : vector<640x128xi1> to vector<640x128xi32>
      %convert_element_type3A_158 = arith.sitofp %convert_element_type3A_157 : vector<640x128xi32> to vector<640x128xf32>
      %add3A_159 = arith.constant 2560 : i32
      %add3A_160 = vector.broadcast %add3A_159 : i32 to vector<640x128xi32>
      %add3A_161 = arith.addi %iota3A, %add3A_160 : vector<640x128xi32>
      %eq3A_162 = arith.cmpi eq, %add3A_161, %broadcast_in_dim3A_9 : vector<640x128xi32>
      %convert_element_type3A_163 = arith.extui %eq3A_162 : vector<640x128xi1> to vector<640x128xi32>
      %convert_element_type3A_164 = arith.sitofp %convert_element_type3A_163 : vector<640x128xi32> to vector<640x128xf32>
      %add3A_165 = arith.constant 2688 : i32
      %add3A_166 = vector.broadcast %add3A_165 : i32 to vector<640x128xi32>
      %add3A_167 = arith.addi %iota3A, %add3A_166 : vector<640x128xi32>
      %eq3A_168 = arith.cmpi eq, %add3A_167, %broadcast_in_dim3A_9 : vector<640x128xi32>
      %convert_element_type3A_169 = arith.extui %eq3A_168 : vector<640x128xi1> to vector<640x128xi32>
      %convert_element_type3A_170 = arith.sitofp %convert_element_type3A_169 : vector<640x128xi32> to vector<640x128xf32>
      %add3A_171 = arith.constant 2816 : i32
      %add3A_172 = vector.broadcast %add3A_171 : i32 to vector<640x128xi32>
      %add3A_173 = arith.addi %iota3A, %add3A_172 : vector<640x128xi32>
      %eq3A_174 = arith.cmpi eq, %add3A_173, %broadcast_in_dim3A_9 : vector<640x128xi32>
      %convert_element_type3A_175 = arith.extui %eq3A_174 : vector<640x128xi1> to vector<640x128xi32>
      %convert_element_type3A_176 = arith.sitofp %convert_element_type3A_175 : vector<640x128xi32> to vector<640x128xf32>
      %add3A_177 = arith.constant 2944 : i32
      %add3A_178 = vector.broadcast %add3A_177 : i32 to vector<640x128xi32>
      %add3A_179 = arith.addi %iota3A, %add3A_178 : vector<640x128xi32>
      %eq3A_180 = arith.cmpi eq, %add3A_179, %broadcast_in_dim3A_9 : vector<640x128xi32>
      %convert_element_type3A_181 = arith.extui %eq3A_180 : vector<640x128xi1> to vector<640x128xi32>
      %convert_element_type3A_182 = arith.sitofp %convert_element_type3A_181 : vector<640x128xi32> to vector<640x128xf32>
      %add3A_183 = arith.constant 3072 : i32
      %add3A_184 = vector.broadcast %add3A_183 : i32 to vector<640x128xi32>
      %add3A_185 = arith.addi %iota3A, %add3A_184 : vector<640x128xi32>
      %eq3A_186 = arith.cmpi eq, %add3A_185, %broadcast_in_dim3A_9 : vector<640x128xi32>
      %convert_element_type3A_187 = arith.extui %eq3A_186 : vector<640x128xi1> to vector<640x128xi32>
      %convert_element_type3A_188 = arith.sitofp %convert_element_type3A_187 : vector<640x128xi32> to vector<640x128xf32>
      %add3A_189 = arith.constant 3200 : i32
      %add3A_190 = vector.broadcast %add3A_189 : i32 to vector<640x128xi32>
      %add3A_191 = arith.addi %iota3A, %add3A_190 : vector<640x128xi32>
      %eq3A_192 = arith.cmpi eq, %add3A_191, %broadcast_in_dim3A_9 : vector<640x128xi32>
      %convert_element_type3A_193 = arith.extui %eq3A_192 : vector<640x128xi1> to vector<640x128xi32>
      %convert_element_type3A_194 = arith.sitofp %convert_element_type3A_193 : vector<640x128xi32> to vector<640x128xf32>
      %add3A_195 = arith.constant 3328 : i32
      %add3A_196 = vector.broadcast %add3A_195 : i32 to vector<640x128xi32>
      %add3A_197 = arith.addi %iota3A, %add3A_196 : vector<640x128xi32>
      %eq3A_198 = arith.cmpi eq, %add3A_197, %broadcast_in_dim3A_9 : vector<640x128xi32>
      %convert_element_type3A_199 = arith.extui %eq3A_198 : vector<640x128xi1> to vector<640x128xi32>
      %convert_element_type3A_200 = arith.sitofp %convert_element_type3A_199 : vector<640x128xi32> to vector<640x128xf32>
      %add3A_201 = arith.constant 3456 : i32
      %add3A_202 = vector.broadcast %add3A_201 : i32 to vector<640x128xi32>
      %add3A_203 = arith.addi %iota3A, %add3A_202 : vector<640x128xi32>
      %eq3A_204 = arith.cmpi eq, %add3A_203, %broadcast_in_dim3A_9 : vector<640x128xi32>
      %convert_element_type3A_205 = arith.extui %eq3A_204 : vector<640x128xi1> to vector<640x128xi32>
      %convert_element_type3A_206 = arith.sitofp %convert_element_type3A_205 : vector<640x128xi32> to vector<640x128xf32>
      %add3A_207 = arith.constant 3584 : i32
      %add3A_208 = vector.broadcast %add3A_207 : i32 to vector<640x128xi32>
      %add3A_209 = arith.addi %iota3A, %add3A_208 : vector<640x128xi32>
      %eq3A_210 = arith.cmpi eq, %add3A_209, %broadcast_in_dim3A_9 : vector<640x128xi32>
      %convert_element_type3A_211 = arith.extui %eq3A_210 : vector<640x128xi1> to vector<640x128xi32>
      %convert_element_type3A_212 = arith.sitofp %convert_element_type3A_211 : vector<640x128xi32> to vector<640x128xf32>
      %add3A_213 = arith.constant 3712 : i32
      %add3A_214 = vector.broadcast %add3A_213 : i32 to vector<640x128xi32>
      %add3A_215 = arith.addi %iota3A, %add3A_214 : vector<640x128xi32>
      %eq3A_216 = arith.cmpi eq, %add3A_215, %broadcast_in_dim3A_9 : vector<640x128xi32>
      %convert_element_type3A_217 = arith.extui %eq3A_216 : vector<640x128xi1> to vector<640x128xi32>
      %convert_element_type3A_218 = arith.sitofp %convert_element_type3A_217 : vector<640x128xi32> to vector<640x128xf32>
      %add3A_219 = arith.constant 3840 : i32
      %add3A_220 = vector.broadcast %add3A_219 : i32 to vector<640x128xi32>
      %add3A_221 = arith.addi %iota3A, %add3A_220 : vector<640x128xi32>
      %eq3A_222 = arith.cmpi eq, %add3A_221, %broadcast_in_dim3A_9 : vector<640x128xi32>
      %convert_element_type3A_223 = arith.extui %eq3A_222 : vector<640x128xi1> to vector<640x128xi32>
      %convert_element_type3A_224 = arith.sitofp %convert_element_type3A_223 : vector<640x128xi32> to vector<640x128xf32>
      %add3A_225 = arith.constant 3968 : i32
      %add3A_226 = vector.broadcast %add3A_225 : i32 to vector<640x128xi32>
      %add3A_227 = arith.addi %iota3A, %add3A_226 : vector<640x128xi32>
      %eq3A_228 = arith.cmpi eq, %add3A_227, %broadcast_in_dim3A_9 : vector<640x128xi32>
      %convert_element_type3A_229 = arith.extui %eq3A_228 : vector<640x128xi1> to vector<640x128xi32>
      %convert_element_type3A_230 = arith.sitofp %convert_element_type3A_229 : vector<640x128xi32> to vector<640x128xf32>
      %add3A_231 = arith.constant 4096 : i32
      %add3A_232 = vector.broadcast %add3A_231 : i32 to vector<640x128xi32>
      %add3A_233 = arith.addi %iota3A, %add3A_232 : vector<640x128xi32>
      %eq3A_234 = arith.cmpi eq, %add3A_233, %broadcast_in_dim3A_9 : vector<640x128xi32>
      %convert_element_type3A_235 = arith.extui %eq3A_234 : vector<640x128xi1> to vector<640x128xi32>
      %convert_element_type3A_236 = arith.sitofp %convert_element_type3A_235 : vector<640x128xi32> to vector<640x128xf32>
      %add3A_237 = arith.constant 4224 : i32
      %add3A_238 = vector.broadcast %add3A_237 : i32 to vector<640x128xi32>
      %add3A_239 = arith.addi %iota3A, %add3A_238 : vector<640x128xi32>
      %eq3A_240 = arith.cmpi eq, %add3A_239, %broadcast_in_dim3A_9 : vector<640x128xi32>
      %convert_element_type3A_241 = arith.extui %eq3A_240 : vector<640x128xi1> to vector<640x128xi32>
      %convert_element_type3A_242 = arith.sitofp %convert_element_type3A_241 : vector<640x128xi32> to vector<640x128xf32>
      %add3A_243 = arith.constant 4352 : i32
      %add3A_244 = vector.broadcast %add3A_243 : i32 to vector<640x128xi32>
      %add3A_245 = arith.addi %iota3A, %add3A_244 : vector<640x128xi32>
      %eq3A_246 = arith.cmpi eq, %add3A_245, %broadcast_in_dim3A_9 : vector<640x128xi32>
      %convert_element_type3A_247 = arith.extui %eq3A_246 : vector<640x128xi1> to vector<640x128xi32>
      %convert_element_type3A_248 = arith.sitofp %convert_element_type3A_247 : vector<640x128xi32> to vector<640x128xf32>
      %add3A_249 = arith.constant 4480 : i32
      %add3A_250 = vector.broadcast %add3A_249 : i32 to vector<640x128xi32>
      %add3A_251 = arith.addi %iota3A, %add3A_250 : vector<640x128xi32>
      %eq3A_252 = arith.cmpi eq, %add3A_251, %broadcast_in_dim3A_9 : vector<640x128xi32>
      %convert_element_type3A_253 = arith.extui %eq3A_252 : vector<640x128xi1> to vector<640x128xi32>
      %convert_element_type3A_254 = arith.sitofp %convert_element_type3A_253 : vector<640x128xi32> to vector<640x128xf32>
      %add3A_255 = arith.constant 4608 : i32
      %add3A_256 = vector.broadcast %add3A_255 : i32 to vector<640x128xi32>
      %add3A_257 = arith.addi %iota3A, %add3A_256 : vector<640x128xi32>
      %eq3A_258 = arith.cmpi eq, %add3A_257, %broadcast_in_dim3A_9 : vector<640x128xi32>
      %convert_element_type3A_259 = arith.extui %eq3A_258 : vector<640x128xi1> to vector<640x128xi32>
      %convert_element_type3A_260 = arith.sitofp %convert_element_type3A_259 : vector<640x128xi32> to vector<640x128xf32>
      %add3A_261 = arith.constant 4736 : i32
      %add3A_262 = vector.broadcast %add3A_261 : i32 to vector<640x128xi32>
      %add3A_263 = arith.addi %iota3A, %add3A_262 : vector<640x128xi32>
      %eq3A_264 = arith.cmpi eq, %add3A_263, %broadcast_in_dim3A_9 : vector<640x128xi32>
      %convert_element_type3A_265 = arith.extui %eq3A_264 : vector<640x128xi1> to vector<640x128xi32>
      %convert_element_type3A_266 = arith.sitofp %convert_element_type3A_265 : vector<640x128xi32> to vector<640x128xf32>
      %add3A_267 = arith.constant 4864 : i32
      %add3A_268 = vector.broadcast %add3A_267 : i32 to vector<640x128xi32>
      %add3A_269 = arith.addi %iota3A, %add3A_268 : vector<640x128xi32>
      %eq3A_270 = arith.cmpi eq, %add3A_269, %broadcast_in_dim3A_9 : vector<640x128xi32>
      %convert_element_type3A_271 = arith.extui %eq3A_270 : vector<640x128xi1> to vector<640x128xi32>
      %convert_element_type3A_272 = arith.sitofp %convert_element_type3A_271 : vector<640x128xi32> to vector<640x128xf32>
      %add3A_273 = arith.constant 4992 : i32
      %add3A_274 = vector.broadcast %add3A_273 : i32 to vector<640x128xi32>
      %add3A_275 = arith.addi %iota3A, %add3A_274 : vector<640x128xi32>
      %eq3A_276 = arith.cmpi eq, %add3A_275, %broadcast_in_dim3A_9 : vector<640x128xi32>
      %convert_element_type3A_277 = arith.extui %eq3A_276 : vector<640x128xi1> to vector<640x128xi32>
      %convert_element_type3A_278 = arith.sitofp %convert_element_type3A_277 : vector<640x128xi32> to vector<640x128xf32>
      %add3A_279 = arith.constant 5120 : i32
      %add3A_280 = vector.broadcast %add3A_279 : i32 to vector<640x128xi32>
      %add3A_281 = arith.addi %iota3A, %add3A_280 : vector<640x128xi32>
      %eq3A_282 = arith.cmpi eq, %add3A_281, %broadcast_in_dim3A_9 : vector<640x128xi32>
      %convert_element_type3A_283 = arith.extui %eq3A_282 : vector<640x128xi1> to vector<640x128xi32>
      %convert_element_type3A_284 = arith.sitofp %convert_element_type3A_283 : vector<640x128xi32> to vector<640x128xf32>
      %add3A_285 = arith.constant 5248 : i32
      %add3A_286 = vector.broadcast %add3A_285 : i32 to vector<640x128xi32>
      %add3A_287 = arith.addi %iota3A, %add3A_286 : vector<640x128xi32>
      %eq3A_288 = arith.cmpi eq, %add3A_287, %broadcast_in_dim3A_9 : vector<640x128xi32>
      %convert_element_type3A_289 = arith.extui %eq3A_288 : vector<640x128xi1> to vector<640x128xi32>
      %convert_element_type3A_290 = arith.sitofp %convert_element_type3A_289 : vector<640x128xi32> to vector<640x128xf32>
      %add3A_291 = arith.constant 5376 : i32
      %add3A_292 = vector.broadcast %add3A_291 : i32 to vector<640x128xi32>
      %add3A_293 = arith.addi %iota3A, %add3A_292 : vector<640x128xi32>
      %eq3A_294 = arith.cmpi eq, %add3A_293, %broadcast_in_dim3A_9 : vector<640x128xi32>
      %convert_element_type3A_295 = arith.extui %eq3A_294 : vector<640x128xi1> to vector<640x128xi32>
      %convert_element_type3A_296 = arith.sitofp %convert_element_type3A_295 : vector<640x128xi32> to vector<640x128xf32>
      %add3A_297 = arith.constant 5504 : i32
      %add3A_298 = vector.broadcast %add3A_297 : i32 to vector<640x128xi32>
      %add3A_299 = arith.addi %iota3A, %add3A_298 : vector<640x128xi32>
      %eq3A_300 = arith.cmpi eq, %add3A_299, %broadcast_in_dim3A_9 : vector<640x128xi32>
      %convert_element_type3A_301 = arith.extui %eq3A_300 : vector<640x128xi1> to vector<640x128xi32>
      %convert_element_type3A_302 = arith.sitofp %convert_element_type3A_301 : vector<640x128xi32> to vector<640x128xf32>
      %add3A_303 = arith.constant 5632 : i32
      %add3A_304 = vector.broadcast %add3A_303 : i32 to vector<640x128xi32>
      %add3A_305 = arith.addi %iota3A, %add3A_304 : vector<640x128xi32>
      %eq3A_306 = arith.cmpi eq, %add3A_305, %broadcast_in_dim3A_9 : vector<640x128xi32>
      %convert_element_type3A_307 = arith.extui %eq3A_306 : vector<640x128xi1> to vector<640x128xi32>
      %convert_element_type3A_308 = arith.sitofp %convert_element_type3A_307 : vector<640x128xi32> to vector<640x128xf32>
      %add3A_309 = arith.constant 5760 : i32
      %add3A_310 = vector.broadcast %add3A_309 : i32 to vector<640x128xi32>
      %add3A_311 = arith.addi %iota3A, %add3A_310 : vector<640x128xi32>
      %eq3A_312 = arith.cmpi eq, %add3A_311, %broadcast_in_dim3A_9 : vector<640x128xi32>
      %convert_element_type3A_313 = arith.extui %eq3A_312 : vector<640x128xi1> to vector<640x128xi32>
      %convert_element_type3A_314 = arith.sitofp %convert_element_type3A_313 : vector<640x128xi32> to vector<640x128xf32>
      %add3A_315 = arith.constant 5888 : i32
      %add3A_316 = vector.broadcast %add3A_315 : i32 to vector<640x128xi32>
      %add3A_317 = arith.addi %iota3A, %add3A_316 : vector<640x128xi32>
      %eq3A_318 = arith.cmpi eq, %add3A_317, %broadcast_in_dim3A_9 : vector<640x128xi32>
      %convert_element_type3A_319 = arith.extui %eq3A_318 : vector<640x128xi1> to vector<640x128xi32>
      %convert_element_type3A_320 = arith.sitofp %convert_element_type3A_319 : vector<640x128xi32> to vector<640x128xf32>
      %add3A_321 = arith.constant 6016 : i32
      %add3A_322 = vector.broadcast %add3A_321 : i32 to vector<640x128xi32>
      %add3A_323 = arith.addi %iota3A, %add3A_322 : vector<640x128xi32>
      %eq3A_324 = arith.cmpi eq, %add3A_323, %broadcast_in_dim3A_9 : vector<640x128xi32>
      %convert_element_type3A_325 = arith.extui %eq3A_324 : vector<640x128xi1> to vector<640x128xi32>
      %convert_element_type3A_326 = arith.sitofp %convert_element_type3A_325 : vector<640x128xi32> to vector<640x128xf32>
      %add3A_327 = arith.constant 6144 : i32
      %add3A_328 = vector.broadcast %add3A_327 : i32 to vector<640x128xi32>
      %add3A_329 = arith.addi %iota3A, %add3A_328 : vector<640x128xi32>
      %eq3A_330 = arith.cmpi eq, %add3A_329, %broadcast_in_dim3A_9 : vector<640x128xi32>
      %convert_element_type3A_331 = arith.extui %eq3A_330 : vector<640x128xi1> to vector<640x128xi32>
      %convert_element_type3A_332 = arith.sitofp %convert_element_type3A_331 : vector<640x128xi32> to vector<640x128xf32>
      %add3A_333 = arith.constant 6272 : i32
      %add3A_334 = vector.broadcast %add3A_333 : i32 to vector<640x128xi32>
      %add3A_335 = arith.addi %iota3A, %add3A_334 : vector<640x128xi32>
      %eq3A_336 = arith.cmpi eq, %add3A_335, %broadcast_in_dim3A_9 : vector<640x128xi32>
      %convert_element_type3A_337 = arith.extui %eq3A_336 : vector<640x128xi1> to vector<640x128xi32>
      %convert_element_type3A_338 = arith.sitofp %convert_element_type3A_337 : vector<640x128xi32> to vector<640x128xf32>
      %add3A_339 = arith.constant 6400 : i32
      %add3A_340 = vector.broadcast %add3A_339 : i32 to vector<640x128xi32>
      %add3A_341 = arith.addi %iota3A, %add3A_340 : vector<640x128xi32>
      %eq3A_342 = arith.cmpi eq, %add3A_341, %broadcast_in_dim3A_9 : vector<640x128xi32>
      %convert_element_type3A_343 = arith.extui %eq3A_342 : vector<640x128xi1> to vector<640x128xi32>
      %convert_element_type3A_344 = arith.sitofp %convert_element_type3A_343 : vector<640x128xi32> to vector<640x128xf32>
      %add3A_345 = arith.constant 6528 : i32
      %add3A_346 = vector.broadcast %add3A_345 : i32 to vector<640x128xi32>
      %add3A_347 = arith.addi %iota3A, %add3A_346 : vector<640x128xi32>
      %eq3A_348 = arith.cmpi eq, %add3A_347, %broadcast_in_dim3A_9 : vector<640x128xi32>
      %convert_element_type3A_349 = arith.extui %eq3A_348 : vector<640x128xi1> to vector<640x128xi32>
      %convert_element_type3A_350 = arith.sitofp %convert_element_type3A_349 : vector<640x128xi32> to vector<640x128xf32>
      %add3A_351 = arith.constant 6656 : i32
      %add3A_352 = vector.broadcast %add3A_351 : i32 to vector<640x128xi32>
      %add3A_353 = arith.addi %iota3A, %add3A_352 : vector<640x128xi32>
      %eq3A_354 = arith.cmpi eq, %add3A_353, %broadcast_in_dim3A_9 : vector<640x128xi32>
      %convert_element_type3A_355 = arith.extui %eq3A_354 : vector<640x128xi1> to vector<640x128xi32>
      %convert_element_type3A_356 = arith.sitofp %convert_element_type3A_355 : vector<640x128xi32> to vector<640x128xf32>
      %add3A_357 = arith.constant 6784 : i32
      %add3A_358 = vector.broadcast %add3A_357 : i32 to vector<640x128xi32>
      %add3A_359 = arith.addi %iota3A, %add3A_358 : vector<640x128xi32>
      %eq3A_360 = arith.cmpi eq, %add3A_359, %broadcast_in_dim3A_9 : vector<640x128xi32>
      %convert_element_type3A_361 = arith.extui %eq3A_360 : vector<640x128xi1> to vector<640x128xi32>
      %convert_element_type3A_362 = arith.sitofp %convert_element_type3A_361 : vector<640x128xi32> to vector<640x128xf32>
      %add3A_363 = arith.constant 6912 : i32
      %add3A_364 = vector.broadcast %add3A_363 : i32 to vector<640x128xi32>
      %add3A_365 = arith.addi %iota3A, %add3A_364 : vector<640x128xi32>
      %eq3A_366 = arith.cmpi eq, %add3A_365, %broadcast_in_dim3A_9 : vector<640x128xi32>
      %convert_element_type3A_367 = arith.extui %eq3A_366 : vector<640x128xi1> to vector<640x128xi32>
      %convert_element_type3A_368 = arith.sitofp %convert_element_type3A_367 : vector<640x128xi32> to vector<640x128xf32>
      %add3A_369 = arith.constant 7040 : i32
      %add3A_370 = vector.broadcast %add3A_369 : i32 to vector<640x128xi32>
      %add3A_371 = arith.addi %iota3A, %add3A_370 : vector<640x128xi32>
      %eq3A_372 = arith.cmpi eq, %add3A_371, %broadcast_in_dim3A_9 : vector<640x128xi32>
      %convert_element_type3A_373 = arith.extui %eq3A_372 : vector<640x128xi1> to vector<640x128xi32>
      %convert_element_type3A_374 = arith.sitofp %convert_element_type3A_373 : vector<640x128xi32> to vector<640x128xf32>
      %add3A_375 = arith.constant 7168 : i32
      %add3A_376 = vector.broadcast %add3A_375 : i32 to vector<640x128xi32>
      %add3A_377 = arith.addi %iota3A, %add3A_376 : vector<640x128xi32>
      %eq3A_378 = arith.cmpi eq, %add3A_377, %broadcast_in_dim3A_9 : vector<640x128xi32>
      %convert_element_type3A_379 = arith.extui %eq3A_378 : vector<640x128xi1> to vector<640x128xi32>
      %convert_element_type3A_380 = arith.sitofp %convert_element_type3A_379 : vector<640x128xi32> to vector<640x128xf32>
      %add3A_381 = arith.constant 7296 : i32
      %add3A_382 = vector.broadcast %add3A_381 : i32 to vector<640x128xi32>
      %add3A_383 = arith.addi %iota3A, %add3A_382 : vector<640x128xi32>
      %eq3A_384 = arith.cmpi eq, %add3A_383, %broadcast_in_dim3A_9 : vector<640x128xi32>
      %convert_element_type3A_385 = arith.extui %eq3A_384 : vector<640x128xi1> to vector<640x128xi32>
      %convert_element_type3A_386 = arith.sitofp %convert_element_type3A_385 : vector<640x128xi32> to vector<640x128xf32>
      %add3A_387 = arith.constant 7424 : i32
      %add3A_388 = vector.broadcast %add3A_387 : i32 to vector<640x128xi32>
      %add3A_389 = arith.addi %iota3A, %add3A_388 : vector<640x128xi32>
      %eq3A_390 = arith.cmpi eq, %add3A_389, %broadcast_in_dim3A_9 : vector<640x128xi32>
      %convert_element_type3A_391 = arith.extui %eq3A_390 : vector<640x128xi1> to vector<640x128xi32>
      %convert_element_type3A_392 = arith.sitofp %convert_element_type3A_391 : vector<640x128xi32> to vector<640x128xf32>
      %add3A_393 = arith.constant 7552 : i32
      %add3A_394 = vector.broadcast %add3A_393 : i32 to vector<640x128xi32>
      %add3A_395 = arith.addi %iota3A, %add3A_394 : vector<640x128xi32>
      %eq3A_396 = arith.cmpi eq, %add3A_395, %broadcast_in_dim3A_9 : vector<640x128xi32>
      %convert_element_type3A_397 = arith.extui %eq3A_396 : vector<640x128xi1> to vector<640x128xi32>
      %convert_element_type3A_398 = arith.sitofp %convert_element_type3A_397 : vector<640x128xi32> to vector<640x128xf32>
      %add3A_399 = arith.constant 7680 : i32
      %add3A_400 = vector.broadcast %add3A_399 : i32 to vector<640x128xi32>
      %add3A_401 = arith.addi %iota3A, %add3A_400 : vector<640x128xi32>
      %eq3A_402 = arith.cmpi eq, %add3A_401, %broadcast_in_dim3A_9 : vector<640x128xi32>
      %convert_element_type3A_403 = arith.extui %eq3A_402 : vector<640x128xi1> to vector<640x128xi32>
      %convert_element_type3A_404 = arith.sitofp %convert_element_type3A_403 : vector<640x128xi32> to vector<640x128xf32>
      %add3A_405 = arith.constant 7808 : i32
      %add3A_406 = vector.broadcast %add3A_405 : i32 to vector<640x128xi32>
      %add3A_407 = arith.addi %iota3A, %add3A_406 : vector<640x128xi32>
      %eq3A_408 = arith.cmpi eq, %add3A_407, %broadcast_in_dim3A_9 : vector<640x128xi32>
      %convert_element_type3A_409 = arith.extui %eq3A_408 : vector<640x128xi1> to vector<640x128xi32>
      %convert_element_type3A_410 = arith.sitofp %convert_element_type3A_409 : vector<640x128xi32> to vector<640x128xf32>
      %add3A_411 = arith.constant 7936 : i32
      %add3A_412 = vector.broadcast %add3A_411 : i32 to vector<640x128xi32>
      %add3A_413 = arith.addi %iota3A, %add3A_412 : vector<640x128xi32>
      %eq3A_414 = arith.cmpi eq, %add3A_413, %broadcast_in_dim3A_9 : vector<640x128xi32>
      %convert_element_type3A_415 = arith.extui %eq3A_414 : vector<640x128xi1> to vector<640x128xi32>
      %convert_element_type3A_416 = arith.sitofp %convert_element_type3A_415 : vector<640x128xi32> to vector<640x128xf32>
      %add3A_417 = arith.constant 8064 : i32
      %add3A_418 = vector.broadcast %add3A_417 : i32 to vector<640x128xi32>
      %add3A_419 = arith.addi %iota3A, %add3A_418 : vector<640x128xi32>
      %eq3A_420 = arith.cmpi eq, %add3A_419, %broadcast_in_dim3A_9 : vector<640x128xi32>
      %convert_element_type3A_421 = arith.extui %eq3A_420 : vector<640x128xi1> to vector<640x128xi32>
      %convert_element_type3A_422 = arith.sitofp %convert_element_type3A_421 : vector<640x128xi32> to vector<640x128xf32>
      %concatenate3A = tpu.concatenate %convert_element_type3A_44, %convert_element_type3A_50, %convert_element_type3A_56, %convert_element_type3A_62, %convert_element_type3A_68, %convert_element_type3A_74, %convert_element_type3A_80, %convert_element_type3A_86, %convert_element_type3A_92, %convert_element_type3A_98, %convert_element_type3A_104, %convert_element_type3A_110, %convert_element_type3A_116, %convert_element_type3A_122, %convert_element_type3A_128, %convert_element_type3A_134, %convert_element_type3A_140, %convert_element_type3A_146, %convert_element_type3A_152, %convert_element_type3A_158, %convert_element_type3A_164, %convert_element_type3A_170, %convert_element_type3A_176, %convert_element_type3A_182, %convert_element_type3A_188, %convert_element_type3A_194, %convert_element_type3A_200, %convert_element_type3A_206, %convert_element_type3A_212, %convert_element_type3A_218, %convert_element_type3A_224, %convert_element_type3A_230, %convert_element_type3A_236, %convert_element_type3A_242, %convert_element_type3A_248, %convert_element_type3A_254, %convert_element_type3A_260, %convert_element_type3A_266, %convert_element_type3A_272, %convert_element_type3A_278, %convert_element_type3A_284, %convert_element_type3A_290, %convert_element_type3A_296, %convert_element_type3A_302, %convert_element_type3A_308, %convert_element_type3A_314, %convert_element_type3A_320, %convert_element_type3A_326, %convert_element_type3A_332, %convert_element_type3A_338, %convert_element_type3A_344, %convert_element_type3A_350, %convert_element_type3A_356, %convert_element_type3A_362, %convert_element_type3A_368, %convert_element_type3A_374, %convert_element_type3A_380, %convert_element_type3A_386, %convert_element_type3A_392, %convert_element_type3A_398, %convert_element_type3A_404, %convert_element_type3A_410, %convert_element_type3A_416, %convert_element_type3A_422 in 1 : vector<640x128xf32>, vector<640x128xf32>, vector<640x128xf32>, vector<640x128xf32>, vector<640x128xf32>, vector<640x128xf32>, vector<640x128xf32>, vector<640x128xf32>, vector<640x128xf32>, vector<640x128xf32>, vector<640x128xf32>, vector<640x128xf32>, vector<640x128xf32>, vector<640x128xf32>, vector<640x128xf32>, vector<640x128xf32>, vector<640x128xf32>, vector<640x128xf32>, vector<640x128xf32>, vector<640x128xf32>, vector<640x128xf32>, vector<640x128xf32>, vector<640x128xf32>, vector<640x128xf32>, vector<640x128xf32>, vector<640x128xf32>, vector<640x128xf32>, vector<640x128xf32>, vector<640x128xf32>, vector<640x128xf32>, vector<640x128xf32>, vector<640x128xf32>, vector<640x128xf32>, vector<640x128xf32>, vector<640x128xf32>, vector<640x128xf32>, vector<640x128xf32>, vector<640x128xf32>, vector<640x128xf32>, vector<640x128xf32>, vector<640x128xf32>, vector<640x128xf32>, vector<640x128xf32>, vector<640x128xf32>, vector<640x128xf32>, vector<640x128xf32>, vector<640x128xf32>, vector<640x128xf32>, vector<640x128xf32>, vector<640x128xf32>, vector<640x128xf32>, vector<640x128xf32>, vector<640x128xf32>, vector<640x128xf32>, vector<640x128xf32>, vector<640x128xf32>, vector<640x128xf32>, vector<640x128xf32>, vector<640x128xf32>, vector<640x128xf32>, vector<640x128xf32>, vector<640x128xf32>, vector<640x128xf32>, vector<640x128xf32> -> vector<640x8192xf32>
      %get3A_423 = arith.constant 0 : index
      %get3A_424 = arith.constant 0 : index
      %get3A_425 = vector.load %arg8[%get3A_423, %get3A_424] : memref<640x64xf32, #tpu.memory_space<vmem>>, vector<640x64xf32>
      %convert_element_type3A_426 = arith.truncf %concatenate3A : vector<640x8192xf32> to vector<640x8192xbf16>
      %convert_element_type3A_427 = arith.truncf %select_n3A : vector<64x8192xf32> to vector<64x8192xbf16>
      %dot_general3A_428 = arith.constant dense<0.000000e+00> : vector<640x64xf32>
      %dot_general3A_429 = tpu.matmul %convert_element_type3A_426, %convert_element_type3A_427, %dot_general3A_428 {dimension_numbers = #tpu.dot_dimension_numbers<[1], [1], [0], [0], [0, 0, 1, 0], [], []>, transpose_lhs_hint = false} : vector<640x8192xbf16>, vector<64x8192xbf16>, vector<640x64xf32> -> vector<640x64xf32>
      %add3A_430 = arith.addf %get3A_425, %dot_general3A_429 : vector<640x64xf32>
      %swap3A_431 = arith.constant 0 : index
      %swap3A_432 = arith.constant 0 : index
      %swap3A_433 = vector.load %arg8[%swap3A_431, %swap3A_432] : memref<640x64xf32, #tpu.memory_space<vmem>>, vector<640x64xf32>
      tpu.vector_store %arg8[%swap3A_431, %swap3A_432], %add3A_430 {strides = array<i32>} : memref<640x64xf32, #tpu.memory_space<vmem>>, vector<640x64xf32>,
      %get3A_434 = arith.constant 0 : index
      %get3A_435 = arith.constant 0 : index
      %get3A_436 = vector.load %arg6[%get3A_434, %get3A_435] : memref<64x64xf32, #tpu.memory_space<vmem>>, vector<64x64xf32>
      %swap3A_437 = arith.constant 0 : index
      %swap3A_438 = arith.constant 0 : index
      %swap3A_439 = vector.load %arg3[%swap3A_437, %swap3A_438] : memref<64x64xf32, #tpu.memory_space<vmem>>, vector<64x64xf32>
      tpu.vector_store %arg3[%swap3A_437, %swap3A_438], %get3A_436 {strides = array<i32>} : memref<64x64xf32, #tpu.memory_space<vmem>>, vector<64x64xf32>,
      %get3A_440 = arith.constant 0 : index
      %get3A_441 = arith.constant 0 : index
      %get3A_442 = vector.load %arg7[%get3A_440, %get3A_441] : memref<64x1xf32, #tpu.memory_space<vmem>>, vector<64x1xf32>
      %swap3A_443 = arith.constant 0 : index
      %swap3A_444 = arith.constant 0 : index
      %swap3A_445 = vector.load %arg4[%swap3A_443, %swap3A_444] : memref<64x1xf32, #tpu.memory_space<vmem>>, vector<64x1xf32>
      tpu.vector_store %arg4[%swap3A_443, %swap3A_444], %get3A_442 {strides = array<i32>} : memref<64x1xf32, #tpu.memory_space<vmem>>, vector<64x1xf32>,
      %get3A_446 = arith.constant 0 : index
      %get3A_447 = arith.constant 0 : index
      %get3A_448 = vector.load %arg8[%get3A_446, %get3A_447] : memref<640x64xf32, #tpu.memory_space<vmem>>, vector<640x64xf32>
      %swap3A_449 = arith.constant 0 : index
      %swap3A_450 = arith.constant 0 : index
      %swap3A_451 = vector.load %arg5[%swap3A_449, %swap3A_450] : memref<640x64xf32, #tpu.memory_space<vmem>>, vector<640x64xf32>
      tpu.vector_store %arg5[%swap3A_449, %swap3A_450], %get3A_448 {strides = array<i32>} : memref<640x64xf32, #tpu.memory_space<vmem>>, vector<640x64xf32>,
    } else {
    }
    return
  }
  func.func @transform_0(%arg0: i32) -> (i32, i32) {
    %c0_i32 = arith.constant 0 : i32
    %c0_i32_0 = arith.constant 0 : i32
    return %c0_i32, %arg0 : i32, i32
  }
  func.func @transform_1(%arg0: i32) -> (i32, i32) {
    %c0_i32 = arith.constant 0 : i32
    %c0_i32_0 = arith.constant 0 : i32
    %c0_i32_1 = arith.constant 0 : i32
    return %c0_i32, %c0_i32_0 : i32, i32
  }
  func.func @transform_2(%arg0: i32) -> (i32, i32) {
    %c0_i32 = arith.constant 0 : i32
    %c0_i32_0 = arith.constant 0 : i32
    %c0_i32_1 = arith.constant 0 : i32
    return %c0_i32, %c0_i32_0 : i32, i32
  }
  func.func @transform_3(%arg0: i32) -> (i32, i32) {
    %c0_i32 = arith.constant 0 : i32
    %c0_i32_0 = arith.constant 0 : i32
    %c0_i32_1 = arith.constant 0 : i32
    return %c0_i32, %c0_i32_0 : i32, i32
  }
  func.func @transform_4(%arg0: i32) -> (i32, i32) {
    %c0_i32 = arith.constant 0 : i32
    %c0_i32_0 = arith.constant 0 : i32
    %c0_i32_1 = arith.constant 0 : i32
    return %c0_i32, %c0_i32_0 : i32, i32
  }
}

module attributes {stable_mosaic.version = 14 : i64} {
  func.func @body(%arg0: memref<640x128xf32, #tpu.memory_space<vmem>>, %arg1: memref<640x1xi32, #tpu.memory_space<vmem>>, %arg2: memref<64x64xf32, #tpu.memory_space<vmem>>, %arg3: memref<64x1xf32, #tpu.memory_space<vmem>>, %arg4: memref<640x64xf32, #tpu.memory_space<vmem>>, %arg5: memref<640x1xf32, #tpu.memory_space<vmem>>, %arg6: memref<1x1xf32, #tpu.memory_space<vmem>>, %arg7: memref<1x1xf32, #tpu.memory_space<vmem>>) attributes {dimension_semantics = [], scalar_prefetch = 0 : i64, scratch_operands = 0 : i64, tpu.core_type = #tpu.core_type<tc>} {
    %get3A = arith.constant 0 : index
    %get3A_0 = arith.constant 0 : index
    %get3A_1 = vector.load %arg1[%get3A, %get3A_0] : memref<640x1xi32, #tpu.memory_space<vmem>>, vector<640x1xi32>
    %jit3A = arith.constant 2 : i32
    %eq3A = arith.constant 0 : i32
    %eq3A_2 = arith.cmpi eq, %jit3A, %eq3A : i32
    %jit3A_3 = arith.constant 1 : i32
    %select_n3A = arith.select %eq3A_2, %jit3A_3, %jit3A : i32
    %rem3A = vector.broadcast %select_n3A : i32 to vector<640x1xi32>
    %rem3A_4 = arith.remsi %get3A_1, %rem3A : vector<640x1xi32>
    %ne3A = arith.constant 0 : i32
    %ne3A_5 = vector.broadcast %ne3A : i32 to vector<640x1xi32>
    %ne3A_6 = arith.cmpi ne, %rem3A_4, %ne3A_5 : vector<640x1xi32>
    %lt3A = arith.constant 0 : i32
    %lt3A_7 = vector.broadcast %lt3A : i32 to vector<640x1xi32>
    %lt3A_8 = arith.cmpi slt, %rem3A_4, %lt3A_7 : vector<640x1xi32>
    %lt3A_9 = arith.constant 0 : i32
    %lt3A_10 = arith.cmpi slt, %select_n3A, %lt3A_9 : i32
    %ne3A_11 = vector.broadcast %lt3A_10 : i1 to vector<640x1xi1>
    %ne3A_12 = vector.broadcast %ne3A_11 : vector<640x1xi1> to vector<640x1xi1>
    %ne3A_13 = arith.xori %lt3A_8, %ne3A_12 : vector<640x1xi1>
    %and3A = arith.andi %ne3A_13, %ne3A_6 : vector<640x1xi1>
    %add3A = vector.broadcast %select_n3A : i32 to vector<640x1xi32>
    %add3A_14 = arith.addi %rem3A_4, %add3A : vector<640x1xi32>
    %select_n3A_15 = arith.select %and3A, %add3A_14, %rem3A_4 : vector<640x1xi1>, vector<640x1xi32>
    %eq3A_16 = arith.constant 1 : i32
    %eq3A_17 = vector.broadcast %eq3A_16 : i32 to vector<640x1xi32>
    %eq3A_18 = arith.cmpi eq, %select_n3A_15, %eq3A_17 : vector<640x1xi32>
    %get3A_19 = arith.constant 0 : index
    %get3A_20 = arith.constant 64 : index
    %get3A_21 = vector.load %arg0[%get3A_19, %get3A_20] : memref<640x128xf32, #tpu.memory_space<vmem>>, vector<640x64xf32>
    %get3A_22 = arith.constant 0 : index
    %get3A_23 = arith.constant 0 : index
    %get3A_24 = vector.load %arg0[%get3A_22, %get3A_23] : memref<640x128xf32, #tpu.memory_space<vmem>>, vector<640x64xf32>
    %broadcast_in_dim3A = vector.shape_cast %eq3A_18 : vector<640x1xi1> to vector<640x1xi1>
    %broadcast_in_dim3A_25 = vector.broadcast %broadcast_in_dim3A : vector<640x1xi1> to vector<640x64xi1>
    %select_n3A_26 = arith.select %broadcast_in_dim3A_25, %get3A_21, %get3A_24 : vector<640x64xi1>, vector<640x64xf32>
    %get3A_27 = arith.constant 0 : index
    %get3A_28 = arith.constant 0 : index
    %get3A_29 = vector.load %arg3[%get3A_27, %get3A_28] : memref<64x1xf32, #tpu.memory_space<vmem>>, vector<64x1xf32>
    %dot_general3A = arith.constant dense<0.000000e+00> : vector<640x1xf32>
    %dot_general3A_30 = tpu.matmul %select_n3A_26, %get3A_29, %dot_general3A {dimension_numbers = #tpu.dot_dimension_numbers<[1], [0], [0], [1], [0, 0, 1, 1], [], []>, transpose_lhs_hint = false} : vector<640x64xf32>, vector<64x1xf32>, vector<640x1xf32> -> vector<640x1xf32>
    %get3A_31 = arith.constant 0 : index
    %get3A_32 = arith.constant 0 : index
    %get3A_33 = vector.load %arg2[%get3A_31, %get3A_32] : memref<64x64xf32, #tpu.memory_space<vmem>>, vector<64x64xf32>
    %dot_general3A_34 = arith.constant dense<0.000000e+00> : vector<640x64xf32>
    %dot_general3A_35 = tpu.matmul %select_n3A_26, %get3A_33, %dot_general3A_34 {dimension_numbers = #tpu.dot_dimension_numbers<[1], [0], [0], [1], [0, 0, 1, 1], [], []>, transpose_lhs_hint = false} : vector<640x64xf32>, vector<64x64xf32>, vector<640x64xf32> -> vector<640x64xf32>
    %mul3A = arith.mulf %dot_general3A_35, %select_n3A_26 : vector<640x64xf32>
    %reduce_sum3A = arith.constant dense<0.000000e+00> : vector<640xf32>
    %reduce_sum3A_36 = vector.multi_reduction <add>, %mul3A, %reduce_sum3A [1] : vector<640x64xf32> to vector<640xf32>
    %broadcast_in_dim3A_37 = vector.shape_cast %reduce_sum3A_36 : vector<640xf32> to vector<640x1xf32>
    %add3A_38 = arith.constant 1.000000e+05 : f32
    %add3A_39 = vector.broadcast %add3A_38 : f32 to vector<640x1xf32>
    %add3A_40 = arith.addf %add3A_39, %dot_general3A_30 : vector<640x1xf32>
    %mul3A_41 = arith.constant 5.000000e-01 : f32
    %mul3A_42 = vector.broadcast %mul3A_41 : f32 to vector<640x1xf32>
    %mul3A_43 = arith.mulf %mul3A_42, %broadcast_in_dim3A_37 : vector<640x1xf32>
    %add3A_44 = arith.addf %add3A_40, %mul3A_43 : vector<640x1xf32>
    %log3A = math.log %add3A_44 : vector<640x1xf32>
    %get3A_45 = arith.constant 0 : index
    %get3A_46 = arith.constant 0 : index
    %get3A_47 = vector.load %arg4[%get3A_45, %get3A_46] : memref<640x64xf32, #tpu.memory_space<vmem>>, vector<640x64xf32>
    %mul3A_48 = arith.mulf %get3A_47, %select_n3A_26 : vector<640x64xf32>
    %reduce_sum3A_49 = arith.constant dense<0.000000e+00> : vector<640xf32>
    %reduce_sum3A_50 = vector.multi_reduction <add>, %mul3A_48, %reduce_sum3A_49 [1] : vector<640x64xf32> to vector<640xf32>
    %broadcast_in_dim3A_51 = vector.shape_cast %reduce_sum3A_50 : vector<640xf32> to vector<640x1xf32>
    %sub3A = arith.subf %log3A, %broadcast_in_dim3A_51 : vector<640x1xf32>
    %get3A_52 = arith.constant 0 : index
    %get3A_53 = arith.constant 0 : index
    %get3A_54 = vector.load %arg5[%get3A_52, %get3A_53] : memref<640x1xf32, #tpu.memory_space<vmem>>, vector<640x1xf32>
    %mul3A_55 = arith.mulf %sub3A, %get3A_54 : vector<640x1xf32>
    %iota3A = tpu.iota {dimensions = array<i32: 0>} : vector<640x1xi32>
    %lt3A_56 = arith.constant 320 : i32
    %lt3A_57 = vector.broadcast %lt3A_56 : i32 to vector<640x1xi32>
    %lt3A_58 = arith.cmpi slt, %iota3A, %lt3A_57 : vector<640x1xi32>
    %jit3A_59 = arith.constant 0.000000e+00 : f32
    %broadcast_in_dim3A_60 = vector.broadcast %jit3A_59 : f32 to vector<640x1xf32>
    %select_n3A_61 = arith.select %lt3A_58, %mul3A_55, %broadcast_in_dim3A_60 : vector<640x1xi1>, vector<640x1xf32>
    %reduce_sum3A_62 = vector.shape_cast %select_n3A_61 : vector<640x1xf32> to vector<1x640x1xf32>
    %reduce_sum3A_63 = arith.constant dense<0.000000e+00> : vector<1xf32>
    %reduce_sum3A_64 = vector.multi_reduction <add>, %reduce_sum3A_62, %reduce_sum3A_63 [1, 2] : vector<1x640x1xf32> to vector<1xf32>
    %reduce_sum3A_65 = vector.shape_cast %reduce_sum3A_64 : vector<1xf32> to vector<1x1x1xf32>
    %reduce_sum3A_66 = vector.extract %reduce_sum3A_65[0, 0, 0] : f32 from vector<1x1x1xf32>
    %jit3A_67 = arith.constant 0.000000e+00 : f32
    %broadcast_in_dim3A_68 = vector.broadcast %jit3A_67 : f32 to vector<640x1xf32>
    %select_n3A_69 = arith.select %lt3A_58, %broadcast_in_dim3A_68, %mul3A_55 : vector<640x1xi1>, vector<640x1xf32>
    %reduce_sum3A_70 = vector.shape_cast %select_n3A_69 : vector<640x1xf32> to vector<1x640x1xf32>
    %reduce_sum3A_71 = arith.constant dense<0.000000e+00> : vector<1xf32>
    %reduce_sum3A_72 = vector.multi_reduction <add>, %reduce_sum3A_70, %reduce_sum3A_71 [1, 2] : vector<1x640x1xf32> to vector<1xf32>
    %reduce_sum3A_73 = vector.shape_cast %reduce_sum3A_72 : vector<1xf32> to vector<1x1x1xf32>
    %reduce_sum3A_74 = vector.extract %reduce_sum3A_73[0, 0, 0] : f32 from vector<1x1x1xf32>
    %get3A_75 = arith.constant 0 : index
    %get3A_76 = arith.constant 0 : index
    %get3A_77 = vector.load %arg5[%get3A_75, %get3A_76] : memref<640x1xf32, #tpu.memory_space<vmem>>, vector<640x1xf32>
    %jit3A_78 = arith.constant 0.000000e+00 : f32
    %broadcast_in_dim3A_79 = vector.broadcast %jit3A_78 : f32 to vector<640x1xf32>
    %select_n3A_80 = arith.select %lt3A_58, %get3A_77, %broadcast_in_dim3A_79 : vector<640x1xi1>, vector<640x1xf32>
    %reduce_sum3A_81 = vector.shape_cast %select_n3A_80 : vector<640x1xf32> to vector<1x640x1xf32>
    %reduce_sum3A_82 = arith.constant dense<0.000000e+00> : vector<1xf32>
    %reduce_sum3A_83 = vector.multi_reduction <add>, %reduce_sum3A_81, %reduce_sum3A_82 [1, 2] : vector<1x640x1xf32> to vector<1xf32>
    %reduce_sum3A_84 = vector.shape_cast %reduce_sum3A_83 : vector<1xf32> to vector<1x1x1xf32>
    %reduce_sum3A_85 = vector.extract %reduce_sum3A_84[0, 0, 0] : f32 from vector<1x1x1xf32>
    %div3A = arith.divf %reduce_sum3A_66, %reduce_sum3A_85 : f32
    %div3A_86 = arith.divf %reduce_sum3A_74, %reduce_sum3A_85 : f32
    %reshape3A = vector.broadcast %div3A : f32 to vector<1x1xf32>
    %swap3A = arith.constant 0 : index
    %swap3A_87 = arith.constant 0 : index
    %swap3A_88 = vector.load %arg6[%swap3A, %swap3A_87] : memref<1x1xf32, #tpu.memory_space<vmem>>, vector<1x1xf32>
    tpu.vector_store %arg6[%swap3A, %swap3A_87], %reshape3A {strides = array<i32>} : memref<1x1xf32, #tpu.memory_space<vmem>>, vector<1x1xf32>,
    %mul3A_89 = arith.constant 0.699999988 : f32
    %mul3A_90 = arith.mulf %mul3A_89, %div3A_86 : f32
    %mul3A_91 = arith.constant 3.000000e-01 : f32
    %mul3A_92 = arith.mulf %mul3A_91, %div3A : f32
    %add3A_93 = arith.addf %mul3A_90, %mul3A_92 : f32
    %reshape3A_94 = vector.broadcast %add3A_93 : f32 to vector<1x1xf32>
    %swap3A_95 = arith.constant 0 : index
    %swap3A_96 = arith.constant 0 : index
    %swap3A_97 = vector.load %arg7[%swap3A_95, %swap3A_96] : memref<1x1xf32, #tpu.memory_space<vmem>>, vector<1x1xf32>
    tpu.vector_store %arg7[%swap3A_95, %swap3A_96], %reshape3A_94 {strides = array<i32>} : memref<1x1xf32, #tpu.memory_space<vmem>>, vector<1x1xf32>,
    return
  }
}

</mosaic_0001>

<sc_bundles>
// kernel: kernel.5.cloned.1.call-start
scs
__scs_entry_jumppad:
0x0: {  	(pc) =	sbr.rel $0x88, $3  }
0x1: {  	(tag) =	ssettag $0x0;
	lr =	simm.s32 $0x1  }
0x2: {  	[smem:$0x3F9A] =	sst lr;
	_ =	strace $0xD0000000  }
0x3: {  	_ = 	snop  }
0x4: {  	_ = 	snop  }
0x5: {  	_ = 	snop  }
0x6: {  	_ = 	snop  }
0x7: {  	_ = 	snop  }
__scs_overlays_trampoline_lowered:
0x8: {  	[smem:$0x3FA9] =	sst s0  }
0x9: {  	[smem:$0x3FAA] =	sst s1  }
0xa: {  	[smem:$0x3FAB] =	sst s2  }
0xb: {  	[smem:$0x3FAC] =	sst s3  }
0xc: {  	[smem:$0x3FAD] =	sst s4  }
0xd: {  	[smem:$0x3FAE] =	sst s5  }
0xe: {  	[smem:$0x3FAF] =	sst s6  }
0xf: {  	[smem:$0x3FB0] =	sst s7  }
0x10: {  	[smem:$0x3FB1] =	sst s8  }
0x11: {  	[smem:$0x3FB2] =	sst s9;
	s0 =	simm.s32 @!p0 $0x0  }
0x12: {  	s1 =	sld [smem:$0x3F98];
	s0 =	simm.s32 @p0 $0x1  }
0x13: {  	[smem:$0x3FB3] =	sst s0;
	s0 =	simm.s32 @!p1 $0x0  }
0x14: {  	s2 =	sld [smem:$0x3F97];
	s0 =	simm.s32 @p1 $0x1  }
0x15: {  	[smem:$0x3FB4] =	sst s0;
	s0 =	simm.s32 @!p2 $0x0  }
0x16: {  	s3 =	sld [smem:$0x3FDB];
	s0 =	simm.s32 @p2 $0x1  }
0x17: {  	s4 =	simm.s32 $0x1BF5;
	[smem:$0x3FB6] =	sst s0  }
0x18: {  	s0 =	sld [smem:$0x3F99];
	_ =	swait.ge [sflag:s4], $0x0  }
0x19: {  	s7 =	sld [smem:$0x3F9A]  }
0x1a: {  	s8 =	sadd.s32 $0xFFFFE003, lr  }
0x1b: {  	s9 =	sadd.s32 $0xFFFFFEF7, lr;
	s5 =	simm.s32 $0xFFFFFFFF;
	p2 =	slt.u32 s8, $0xFFFFF086  }
0x1c: {  	p1 =	slt.u32 s9, $0xF7A;
	s5 =	simm.s32 @!p2 $0x0  }
0x1d: {  	s5 =	simm.s32 @p1 $0x1;
	p0 =	seq.s32 s7, s2  }
0x1e: {  	s7 =	smul.u32 @!p0 $0xF7A, s2;
	p2 =	seq.s32 @!p0 s5, $0x0  }
0x1f: {  	s9 =	smul.u32 $0xF7A, s1;
	s8 =	simm.s32 @!p0 $0x1BF5;
	p2 =	por !p2, p0  }
0x20: {  	[sflag:s8] =	ssyncset.s32 @!p0 $0xFFFFF086;
	s6 =	sadd.s32 @!p0 s3, s7;
	s7 =	simm.s32 @!p0 $0x108  }
0x21: {  	s3 =	sadd.s32 s3, s9;
	s6 =	sadd.s32 @!p0 $0x88, s6;
	s7 =	simm.s32 @p2 $0x1082  }
0x22: {  	[simem:s7], [sflag:s8] =	dma.local @!p0 [hbm:s6], $0xF7A  }
0x23: {  	s9 =	sor.u32 $0xD0000000, s2;
	s6 =	simm.s32 $0x108;
	_ =	swait.ge @!p0 [sflag:s8], $0x0  }
0x24: {  	s3 =	sadd.s32 $0x88, s3;
	s6 =	simm.s32 @!p1 $0x1082;
	[sflag:s4] =	ssyncset.s32 $0xFFFFF086  }
0x25: {  	[simem:s6], [sflag:s4] =	dma.local [hbm:s3], $0xF7A  }
0x26: {  	[smem:$0x3F9A] =	sst s1;
	(tag) =	ssettag s2;
	_ =	strace s9  }
0x27: {  	s1 =	sld [smem:$0x3FAA]  }
0x28: {  	s2 =	sld [smem:$0x3FAB]  }
0x29: {  	s4 =	sld [smem:$0x3FAD]  }
0x2a: {  	p0 =	seq.s32 s5, $0x0;
	s5 =	sld [smem:$0x3FAE]  }
0x2b: {  	s6 =	sld [smem:$0x3FAF]  }
0x2c: {  	s7 =	sld [smem:$0x3FB0]  }
0x2d: {  	s3 =	simm.s32 $0x108;
	s8 =	sld [smem:$0x3FB1]  }
0x2e: {  	s3 =	simm.s32 @!p0 $0x1082;
	s9 =	sld [smem:$0x3FB2]  }
0x2f: {  	lr =	sadd.s32 s0, s3;
	s0 =	sld [smem:$0x3FA9]  }
0x30: {  	s3 =	sld [smem:$0x3FAC]  }
0x31: {  	[smem:$0x3FB5] =	sst s10  }
0x32: {  	s10 =	sld [smem:$0x3FB3];
	_ =	sdelay $0x3  }
0x33: {  	p0 =	seq.s32 s10, $0x1;
	s10 =	sld [smem:$0x3FB5];
	_ =	sdelay $0x3  }
0x34: {  	[smem:$0x3FB5] =	sst s10  }
0x35: {  	s10 =	sld [smem:$0x3FB4];
	_ =	sdelay $0x3  }
0x36: {  	p1 =	seq.s32 s10, $0x1;
	s10 =	sld [smem:$0x3FB5];
	_ =	sdelay $0x3  }
0x37: {  	[smem:$0x3FB5] =	sst s10  }
0x38: {  	s10 =	sld [smem:$0x3FB6]  }
0x39: {  	_ = 	snop;
	(pc) =	sbr.ind lr, $3  }
0x3a: {  	_ = 	snop  }
0x3b: {  	_ = 	snop  }
0x3c: {  	p2 =	seq.s32 s10, $0x1;
	s10 =	sld [smem:$0x3FB5]  }
0x3d: {  	_ =	shalt  }
0x3e: {  	_ =	shalt  }
0x3f: {  	_ =	shalt  }
0x40: {  	_ =	shalt  }
0x41: {  	_ =	shalt  }
0x42: {  	_ =	shalt  }
0x43: {  	_ =	shalt  }
0x44: {  	_ =	shalt  }
0x45: {  	_ =	shalt  }
0x46: {  	_ =	shalt  }
0x47: {  	_ =	shalt  }
0x48: {  	_ =	shalt  }
0x49: {  	_ =	shalt  }
0x4a: {  	_ =	shalt  }
0x4b: {  	_ =	shalt  }
0x4c: {  	_ =	shalt  }
0x4d: {  	_ =	shalt  }
0x4e: {  	_ =	shalt  }
0x4f: {  	_ =	shalt  }
0x50: {  	_ =	shalt  }
0x51: {  	_ =	shalt  }
0x52: {  	_ =	shalt  }
0x53: {  	_ =	shalt  }
0x54: {  	_ =	shalt  }
0x55: {  	_ =	shalt  }
0x56: {  	_ =	shalt  }
0x57: {  	_ =	shalt  }
0x58: {  	_ =	shalt  }
0x59: {  	_ =	shalt  }
0x5a: {  	_ =	shalt  }
0x5b: {  	_ =	shalt  }
0x5c: {  	_ =	shalt  }
0x5d: {  	_ =	shalt  }
0x5e: {  	_ =	shalt  }
0x5f: {  	_ =	shalt  }
0x60: {  	_ =	shalt  }
0x61: {  	_ =	shalt  }
0x62: {  	_ =	shalt  }
0x63: {  	_ =	shalt  }
0x64: {  	_ =	shalt  }
0x65: {  	_ =	shalt  }
0x66: {  	_ =	shalt  }
0x67: {  	_ =	shalt  }
0x68: {  	_ =	shalt  }
0x69: {  	_ =	shalt  }
0x6a: {  	_ =	shalt  }
0x6b: {  	_ =	shalt  }
0x6c: {  	_ =	shalt  }
0x6d: {  	_ =	shalt  }
0x6e: {  	_ =	shalt  }
0x6f: {  	_ =	shalt  }
0x70: {  	_ =	shalt  }
0x71: {  	_ =	shalt  }
0x72: {  	_ =	shalt  }
0x73: {  	_ =	shalt  }
0x74: {  	_ =	shalt  }
0x75: {  	_ =	shalt  }
0x76: {  	_ =	shalt  }
0x77: {  	_ =	shalt  }
0x78: {  	_ =	shalt  }
0x79: {  	_ =	shalt  }
0x7a: {  	_ =	shalt  }
0x7b: {  	_ =	shalt  }
0x7c: {  	_ =	shalt  }
0x7d: {  	_ =	shalt  }
0x7e: {  	_ =	shalt  }
0x7f: {  	_ =	shalt  }
0x80: {  	_ =	shalt  }
0x81: {  	_ =	shalt  }
0x82: {  	_ =	shalt  }
0x83: {  	_ =	shalt  }
0x84: {  	_ =	shalt  }
0x85: {  	_ =	shalt  }
0x86: {  	_ =	shalt  }
0x87: {  	_ =	shalt  }
.Lfunc_end0:
.L_simem_size_0:
called_computation_lowered:
.L_overlay_start_0:
0x88: {  	s2 =	sld [smem:$0x3FD9]  }
0x89: {  	s3 =	sld [smem:$0x3FFE];
	_ =	sdelay $0x1  }
0x8a: {  	s1 =	srdreg.scid  }
0x8b: {  	s0 =	sand.u32 $0x1, s1  }
0x8c: {  	s16 =	sshll.u32 s0, $0xA;
	s2 =	sadd.s32 s3, s2  }
0x8d: {  	s2 =	sadd.s32 s2, s16  }
0x8e: {  	[smem:$0x3FC1] =	sst s2  }
0x8f: {  	_ = 	snop  }
0x90: {  	(tm) =	ssettm $0x1  }
0x91: {  	s17 =	sld [smem:$0x3FFB];
	_ =	sdelay $0x3  }
0x92: {  	_ =	strace s17  }
0x93: {  	s2 =	sld [smem:$0x3FFC];
	_ =	sdelay $0x3  }
0x94: {  	_ =	strace s2  }
0x95: {  	s2 =	sld [smem:$0x3FFD];
	_ =	sdelay $0x3  }
0x96: {  	_ =	strace s2  }
0x97: {  	_ =	strace $0x8FFFFFFF  }
0x98: {  	s18 =	sld [smem:$0x3FDB];
	_ =	sdelay $0x1  }
0x99: {  	s19 =	simm.s32 $_scs_section_size  }
0x9a: {  	s4 =	simm.s32 $_size__tile_overlayer_lowered;
	s5 =	simm.s32 $_tile_overlayer_lowered  }
0x9b: {  	s22 =	simm.s32 $0x1BFF;
	s21 =	sshll.u32 s5, $0x1;
	s2 =	sadd.s32 s19, s18  }
0x9c: {  	s6 =	simm.s32 $0x0;
	s20 =	sshll.u32 s4, $0x1;
	s4 =	sadd.s32 s21, s2  }
0x9d: {  	[timem:s6], [sflag:s22] =	dma.local [hbm:s4], s20  }
0x9e: {  	_ =	swait.ge [sflag:s22], s20  }
0x9f: {  	s3 =	ssub.s32 $0x0, s20;
	[sflag:s22] =	ssyncset.done $0x0  }
0xa0: {  	[sflag:s22] =	ssyncadd.s32 s3;
	_ =	sdelay $0x1  }
0xa1: {  	s23 =	simm.s32 $0x1B8B  }
0xa2: {  	_ =	swait.ge [sflag:s23], $0x1  }
0xa3: {  	[sflag:s23] =	ssyncset.done $0x0  }
0xa4: {  	s25 =	simm.s32 $0x1B8E;
	s24 =	sld [smem:$0x3FFE];
	[sflag:s23] =	ssyncadd.s32 $0xFFFFFFFF  }
0xa5: {  	s26 =	simm.s32 $execute0_lowered;
	[smem:$0x3FD2] =	sst s25  }
0xa6: {  	s4 =	sshll.u32 s26, $0x1;
	_ =	strace $0x80000046;
	[dreg:$0x1] =	wrdreg $0xFFFFFFFF  }
0xa7: {  	s28 =	simm.s32 $_size_execute0_lowered;
	s2 =	sadd.s32 s2, s4;
	[dreg:$0x0] =	wrdreg $0x0  }
0xa8: {  	s4 =	sshll.u32 s28, $0x1;
	[dreg:$0x2] =	wrdreg s2  }
0xa9: {  	[dreg:$0x3] =	wrdreg s4  }
0xaa: {  	[dreg:$0x4] =	wrdreg $0xC0  }
0xab: {  	_ =	task [dreg:s6], $0x5FFFF  }
0xac: {  	[dreg:$0x1] =	wrdreg $0xFFFFFFFF  }
0xad: {  	[dreg:$0x0] =	wrdreg $0x60  }
0xae: {  	[dreg:$0x2] =	wrdreg s24  }
0xaf: {  	[dreg:$0x3] =	wrdreg $0x9  }
0xb0: {  	_ =	task.clear_ibuf [dreg:s6], $0x4FFFF;
	_ =	strace $0x90000046  }
0xb1: {  	s29 =	simm.s32 $0x9;
	_ =	strace $0x80000048  }
0xb2: {  	_ =	swait.ge [sflag:s29], $0x1  }
0xb3: {  	[sflag:s29] =	ssyncadd.s32 $0xFFFFFFFF  }
0xb4: {  	_ =	strace $0x90000048  }
0xb5: {  	_ =	sfence  }
0xb6: {  	s30 =	sld [smem:$0x0];
	_ =	sdelay $0x2  }
0xb7: {  	s31 =	sshll.u32 s1, $0xD;
	s1 =	sshrl.u32 s1, $0x2  }
0xb8: {  	s3 =	sand.u32 $0x4000, s31;
	s1 =	sadd.s32 s1, s30  }
0xb9: {  	s0 =	sor.u32 s3, s0;
	s1 =	sshll.u32 s1, $0x11  }
0xba: {  	s0 =	sor.u32 s1, s0  }
0xbb: {  	s0 =	sadd.s32 $0x8F2B, s0  }
0xbc: {  	[sflag:s0] =	ssyncadd.remote.s32 $0x1  }
0xbd: {  	_ =	sfence.sel $0xFFFF  }
0xbe: {  	[dreg:$0x0] =	wrdreg $0xFFFFFFFF;
	(pc) =	sbr.abs _section_cstart, $3  }
0xbf: {  	[dreg:$0x1] =	wrdreg $0xFFFFFFFF  }
0xc0: {  	_ =	task.clear_ibuf [dreg:s6], $0x2FFFF;
	_ =	strace $0x9FFFFFFF  }
0xc1: {  	(tm) =	ssettm $0x7FFFFFFF  }
tec
execute0_lowered:
.L_overlay_start_1:
0x0: {  	(tag) =	ssettag $0x1  }
0x1: {  	s1 =	srdreg.scid;
	s0 =	stileid.u32  }
0x2: {  	s6 =	sand.u32 $0x1, s1;
	s30 =	sshll.u32 s0, $0x1  }
0x3: {  	s9 =	rddreg [dreg:$0x0];
	s7 =	sor.u32 s6, s30  }
0x4: {  	s2 =	simm.s32 $0x0;
	s1 =	rddreg [dreg:$0x1];
	s3 =	smul.u32 $0x3, s7  }
0x5: {  	s8 =	simm.s32 $0x1;
	[smem:$0x7FF] =	sst s2;
	s5 =	sadd.s32 $0x187A00, s9  }
0x6: {  	_ =	strace $0x80000047;
	s11 =	ssub.s32 $0x2, s6;
	s3 =	sadd.s32 s3, s9  }
0x7: {  	s6 =	simm.s32 $0x18;
	s4 =	sadd.s32 $0x1000, s3;
	s3 =	simm.s32 $0x2  }
0x8: {  	[tilespmem:s2], [sflag:$0x2] =	stream.linear.gather [hbm4b:s4+s2], $0x18, $0x38;
	[tilespmem:$0xC80] =	vst v63  }
0x9: {  	s10 =	smul.u32 $0x180, s7;
	s12 =	sshrl.u32 s11, $0x1;
	_ =	swait.ge [sflag:s3], $0x18  }
0xa: {  	s7 =	simm.s32 $0x80;
	s31 =	ssub.s32 s11, s12;
	[sflag:s3] =	ssyncset.done $0x0  }
0xb: {  	s9 =	sadd.s32 s10, s9;
	s10 =	smax.u32 s31, $0x1;
	[sflag:s3] =	ssyncadd.s32 $0xFFFFFFE8  }
0xc: {  	[tilespmem:s7], [sflag:$0x1] =	stream.indirect.gather [hbm4b:s5+s6], $0x80, s2, s6, $0xb8;
	[tilespmem:$0xC80] =	vst v63  }
0xd: {  	p0 =	sne.s32 s10, $0x1;
	_ =	swait.ge [sflag:s8], $0xC00  }
.Ltmp0:
0xe: {  	[sflag:s8] =	ssyncset.done $0x0;
	(pc) =	sbr.rel @!p0 .LBB2_2-.Ltmp0, $4  }
0xf: {  	s9 =	sadd.s32 $0x1200, s9;
	[sflag:s8] =	ssyncadd.s32 $0xFFFFF400  }
0x10: {  	[hbm4b:s9+s2] =	stream.linear.scatter [tilespmem:s7], [sflag:$0x2], $0xC00, $0x38;
	[tilespmem:$0xC80] =	vst v63  }
0x11: {  	_ =	swait.ge [sflag:s3], $0xC00  }
0x12: {  	s10 =	sadd.s32 $0xFFFFFFFF, s10;
	[sflag:s3] =	ssyncset.done $0x0  }
.LBB2_1:
0x13: {  	p0 =	sne.s32 s10, $0x1;
	s10 =	sadd.s32 $0xFFFFFFFF, s10;
	[sflag:s3] =	ssyncadd.s32 $0xFFFFF400  }
0x14: {  	[tilespmem:s2], [sflag:$0x2] =	stream.linear.gather [hbm4b:s4+s2], $0x18, $0x38;
	[tilespmem:$0xC80] =	vst v63  }
0x15: {  	_ =	swait.ge [sflag:s3], $0x18  }
0x16: {  	[sflag:s3] =	ssyncset.done $0x0  }
0x17: {  	[sflag:s3] =	ssyncadd.s32 $0xFFFFFFE8  }
0x18: {  	[tilespmem:s7], [sflag:$0x1] =	stream.indirect.gather [hbm4b:s5+s6], $0x80, s2, s6, $0xb8;
	[tilespmem:$0xC80] =	vst v63  }
0x19: {  	_ =	swait.ge [sflag:s8], $0xC00  }
.Ltmp1:
0x1a: {  	[sflag:s8] =	ssyncset.done $0x0;
	(pc) =	sbr.rel @p0 .LBB2_1-.Ltmp1, $4  }
0x1b: {  	[sflag:s8] =	ssyncadd.s32 $0xFFFFF400  }
0x1c: {  	[hbm4b:s9+s2] =	stream.linear.scatter [tilespmem:s7], [sflag:$0x2], $0xC00, $0x38;
	[tilespmem:$0xC80] =	vst v63  }
0x1d: {  	_ =	swait.ge [sflag:s3], $0xC00  }
0x1e: {  	[sflag:s3] =	ssyncset.done $0x0  }
.LBB2_2:
0x1f: {  	[sflag:s3] =	ssyncadd.s32 $0xFFFFF400  }
0x20: {  	_ =	sfence.sel $0x180000  }
0x21: {  	[bflag:$0x0] =	sbarrier.arrive $0xFFFF  }
0x22: {  	p0 =	sne.s32 s0, $0x0;
	_ =	strace $0x90000047  }
0x23: {  	s0 =	sadd.s32 @!p0 $0x100000, s1;
	[bflag:$0x2] =	sbarrier.arrive $0xFFFF  }
0x24: {  	[sflag:s0] =	ssyncadd.tile.s32 @!p0 $0x1;
	_ =	shalt  }
.Lfunc_end2:
_tile_overlayer_lowered:
.L_overlay_start_2:
0x25: {  	(tag) =	ssettag $0x2  }
0x26: {  	s0 =	rddreg [dreg:$0x0];
	s2 =	stileid.u32  }
0x27: {  	s1 =	rddreg [dreg:$0x1];
	p0 =	sne.s32 s2, $0x0  }
0x28: {  	s3 =	rddreg [dreg:$0x2];
	[bflag:$0x3] =	sbarrier.arrive $0xFFFF;
	s2 =	simm.s32 @!p0 $0x1C02  }
0x29: {  	[timem:s3], [sflag:s2] =	dma.local @!p0 [hbm:s0], s1  }
0x2a: {  	s0 =	simm.s32 @!p0 $0x2  }
0x2b: {  	_ =	swait.ge @!p0 [sflag:s0], s1  }
0x2c: {  	s1 =	ssub.s32 @!p0 $0x0, s1;
	[sflag:s0] =	ssyncset.done @!p0 $0x0  }
0x2d: {  	[sflag:s0] =	ssyncadd.s32 @!p0 s1  }
0x2e: {  	[bflag:$0x3] =	sbarrier.arrive $0xFFFF  }
0x2f: {  	_ =	shalt  }

</sc_bundles>
